<compile_context>
chip_gen: v7x
topology: tpu7x:2x2x1
jax: 0.10.2.dev20260603
libtpu: 0.0.44.dev20260713+nightly
codegen_flags: <defaults>
</compile_context>

<pallas_src>
import functools

import jax
import jax.numpy as jnp
from jax import lax
from jax.experimental import pallas as pl
from jax.experimental.pallas import tpu as pltpu
from jax.experimental.pallas import tpu_sc as plsc

N_NODES = 10000
D_FEAT = 256
N_EDGES = 160000

N_SUBCORES = 16
HALF = D_FEAT // 2
EDGES_PER_TILE = N_EDGES // N_SUBCORES
CHUNK = 80
N_CHUNKS = EDGES_PER_TILE // CHUNK
ROWS_PER_TILE = N_NODES // N_SUBCORES


def _sc_body(x_hbm, src_hbm, dst_hbm, out_hbm,
             src_v, dst_v, rows_a, rows_b, acc_sh,
             gsem0, gsem1, ssem0, ssem1):
    c = lax.axis_index("c")
    s = lax.axis_index("s")
    gsems = (gsem0, gsem1)
    ssems = (ssem0, ssem1)
    bufs = (rows_a, rows_b)

    half = pl.ds(c * HALF, HALF)

    def gstart(j, b):
        pltpu.async_copy(x_hbm.at[src_v.at[pl.ds(j * CHUNK, CHUNK)], half],
                         bufs[b], gsems[b])

    def gwait(j, b):
        pltpu.make_async_copy(x_hbm.at[src_v.at[pl.ds(j * CHUNK, CHUNK)], half],
                              bufs[b], gsems[b]).wait()

    def sstart(j, b):
        pltpu.async_copy(bufs[b], acc_sh.at[dst_v.at[j]], ssems[b], add=True)

    def swait(j, b):
        pltpu.make_async_copy(bufs[b], acc_sh.at[dst_v.at[j]], ssems[b]).wait()

    pltpu.sync_copy(src_hbm.at[s], src_v)
    pltpu.sync_copy(dst_hbm.at[s], dst_v)
    gstart(0, 0)

    def z_row(i, _):
        def z_col(k, _):
            rows_b[i, pl.ds(k * 16, 16)] = jnp.zeros((16,), jnp.float32)
            return 0
        return lax.fori_loop(0, HALF // 16, z_col, 0)
    lax.fori_loop(0, CHUNK, z_row, 0)
    base = s * ROWS_PER_TILE
    zdescs = []
    for t in range(ROWS_PER_TILE // CHUNK):
        zdescs.append(pltpu.async_copy(
            rows_b, acc_sh.at[pl.ds(base + t * CHUNK, CHUNK)], ssem1))
    rem = ROWS_PER_TILE % CHUNK
    if rem:
        zdescs.append(pltpu.async_copy(
            rows_b.at[pl.ds(0, rem)],
            acc_sh.at[pl.ds(base + (ROWS_PER_TILE // CHUNK) * CHUNK, rem)],
            ssem1))
    for d in zdescs:
        d.wait()
    plsc.subcore_barrier()

    gstart(1, 1)
    gwait(0, 0)
    sstart(0, 0)

    def pair(i, _):
        j = 2 * i + 1
        swait(j - 1, 0)
        gstart(j + 1, 0)
        gwait(j, 1)
        sstart(j, 1)
        swait(j, 1)
        gstart(j + 2, 1)
        gwait(j + 1, 0)
        sstart(j + 1, 0)
        return 0
    lax.fori_loop(0, (N_CHUNKS - 3) // 2, pair, 0)

    j_last = N_CHUNKS - 1
    swait(j_last - 2, 0)
    gstart(j_last, 0)
    gwait(j_last - 1, 1)
    sstart(j_last - 1, 1)
    swait(j_last - 1, 1)
    gwait(j_last, 0)
    sstart(j_last, 0)
    swait(j_last, 0)
    plsc.subcore_barrier()

    blk = (N_NODES // N_SUBCORES) // 8 * 8
    pltpu.sync_copy(acc_sh.at[pl.ds(s * blk, blk)],
                    out_hbm.at[pl.ds(s * blk, blk), half])

    @pl.when(s == N_SUBCORES - 1)
    def _copy_tail():
        tail = N_NODES - blk * N_SUBCORES
        pltpu.sync_copy(acc_sh.at[pl.ds(blk * N_SUBCORES, tail)],
                        out_hbm.at[pl.ds(blk * N_SUBCORES, tail), half])


@jax.jit
def _message_passing(x2, src, dst):
    mesh = plsc.VectorSubcoreMesh(core_axis_name="c", subcore_axis_name="s")
    fn = functools.partial(
        pl.kernel,
        mesh=mesh,
        out_type=jax.ShapeDtypeStruct((N_NODES, D_FEAT), jnp.float32),
        scratch_types=[
            pltpu.VMEM((EDGES_PER_TILE,), jnp.int32),
            pltpu.VMEM((N_CHUNKS, CHUNK), jnp.int32),
            pltpu.VMEM((CHUNK, HALF), jnp.float32),
            pltpu.VMEM((CHUNK, HALF), jnp.float32),
            pltpu.VMEM_SHARED((N_NODES, HALF), jnp.float32),
            pltpu.SemaphoreType.DMA,
            pltpu.SemaphoreType.DMA,
            pltpu.SemaphoreType.DMA,
            pltpu.SemaphoreType.DMA,
        ],
    )(_sc_body)
    return fn(x2, src, dst)


def kernel(edge_index, x):
    ei = edge_index.astype(jnp.int32)
    src = ei[0].reshape(N_SUBCORES, EDGES_PER_TILE)
    dst = ei[1].reshape(N_SUBCORES, N_CHUNKS, CHUNK)
    return _message_passing(x, src, dst)

# --- scband reference (transcript-rebuilt; emitter-appended) ---
"""Pipeline reference for scband-message-passing-901943132745 (READ-ONLY COPY).

The authoritative reference and input builder live on the scoring server;
editing this copy changes nothing except your own understanding.
"""

import jax, jax.numpy as jnp
import numpy as np

N_NODES = 10000
N_EDGES = 160000
D_FEAT = 256

def setup_inputs(seed: int = 0) -> dict:
    key = jax.random.key(seed)
    k1, k2 = jax.random.split(key)
    edge_index = jax.random.randint(k1, (2, N_EDGES), 0, N_NODES, dtype=jnp.int64)
    x = jax.random.normal(k2, (N_NODES, D_FEAT), dtype=jnp.float32)
    return {"edge_index": edge_index, "x": x}

def reference(edge_index, x):
    # MessagePassing with aggr='add', flow='source_to_target':
    # i, j = (1, 0); message(x_j) gathers x at source nodes edge_index[0],
    # then scatter-add aggregates messages at target nodes edge_index[1].
    # update is identity.
    x_j = jnp.take(x, edge_index[0], axis=0)          # gather: [E, d]
    out = jax.ops.segment_sum(x_j, edge_index[1], num_segments=N_NODES)  # scatter-add: [N, d]
    return out

if __name__ == "__main__":
    import jax
    _d = setup_inputs()
    print(jax.jit(kernel)(*tuple(_d.values())))

</pallas_src>

<mosaic_0001>
#map = affine_map<(d0, d1) -> (0, 0)>
#map1 = affine_map<(d0, d1) -> (0, 0, 0)>
module attributes {stable_mosaic.version = 14 : i64} {
  func.func @_sc_body(%arg0: i32, %arg1: i32, %arg2: memref<10000x256xf32, #tpu.memory_space<hbm>>, %arg3: memref<16x10000xi32, #tpu.memory_space<hbm>>, %arg4: memref<16x125x80xi32, #tpu.memory_space<hbm>>, %arg5: memref<10000x256xf32, #tpu.memory_space<hbm>>, %arg6: memref<10000xi32, #tpu.memory_space<vmem>>, %arg7: memref<125x80xi32, #tpu.memory_space<vmem>>, %arg8: memref<80x128xf32, #tpu.memory_space<vmem>>, %arg9: memref<80x128xf32, #tpu.memory_space<vmem>>, %arg10: memref<10000x128xf32, #tpu.memory_space<vmem_shared>>, %arg11: memref<!tpu.dma_semaphore, #tpu.memory_space<semaphore_mem>>, %arg12: memref<!tpu.dma_semaphore, #tpu.memory_space<semaphore_mem>>, %arg13: memref<!tpu.dma_semaphore, #tpu.memory_space<semaphore_mem>>, %arg14: memref<!tpu.dma_semaphore, #tpu.memory_space<semaphore_mem>>) attributes {dimension_semantics = [#tpu.dimension_semantics<core_parallel>, #tpu.dimension_semantics<subcore_parallel>], iteration_bounds = array<i64: 2, 16>, scalar_prefetch = 0 : i64, scratch_operands = 9 : i64, tpu.core_type = #tpu.core_type<sc_vector_subcore>, window_params = [{transform_indices = #map}, {transform_indices = #map}, {transform_indices = #map1}, {transform_indices = #map}]} {
    %mul3A = arith.constant 128 : i32
    %mul3A_0 = arith.muli %arg0, %mul3A : i32
    "tpu.region"() ({
      %run_scoped3A = tpu.sem_alloc : memref<!tpu.dma_semaphore, #tpu.memory_space<semaphore_mem>>
      %dma_start3A_178 = arith.constant 0 : i32
      %dma_start3A_179 = tpu.memref_slice %arg3[%arg1, %dma_start3A_178] : memref<16x10000xi32, #tpu.memory_space<hbm>> -> memref<1x10000xi32, #tpu.memory_space<hbm>>
      %dma_start3A_180 = tpu.memref_squeeze %dma_start3A_179 : memref<1x10000xi32, #tpu.memory_space<hbm>> -> memref<10000xi32, #tpu.memory_space<hbm>>
      %dma_start3A_181 = arith.constant 0 : i32
      %dma_start3A_182 = tpu.memref_slice %arg3[%arg1, %dma_start3A_181] : memref<16x10000xi32, #tpu.memory_space<hbm>> -> memref<1x10000xi32, #tpu.memory_space<hbm>>
      %dma_start3A_183 = tpu.memref_squeeze %dma_start3A_182 : memref<1x10000xi32, #tpu.memory_space<hbm>> -> memref<10000xi32, #tpu.memory_space<hbm>>
      tpu.enqueue_dma source(%dma_start3A_183 : memref<10000xi32, #tpu.memory_space<hbm>>) target(%arg6 : memref<10000xi32, #tpu.memory_space<vmem>>) target_semaphore(%run_scoped3A : memref<!tpu.dma_semaphore, #tpu.memory_space<semaphore_mem>>)
      %dma_wait3A_184 = arith.constant 0 : i32
      %dma_wait3A_185 = tpu.memref_slice %arg3[%arg1, %dma_wait3A_184] : memref<16x10000xi32, #tpu.memory_space<hbm>> -> memref<1x10000xi32, #tpu.memory_space<hbm>>
      %dma_wait3A_186 = tpu.memref_squeeze %dma_wait3A_185 : memref<1x10000xi32, #tpu.memory_space<hbm>> -> memref<10000xi32, #tpu.memory_space<hbm>>
      %dma_wait3A_187 = arith.constant 0 : i32
      %dma_wait3A_188 = tpu.memref_slice %arg3[%arg1, %dma_wait3A_187] : memref<16x10000xi32, #tpu.memory_space<hbm>> -> memref<1x10000xi32, #tpu.memory_space<hbm>>
      %dma_wait3A_189 = tpu.memref_squeeze %dma_wait3A_188 : memref<1x10000xi32, #tpu.memory_space<hbm>> -> memref<10000xi32, #tpu.memory_space<hbm>>
      tpu.wait_dma2 semaphore(%run_scoped3A : memref<!tpu.dma_semaphore, #tpu.memory_space<semaphore_mem>>) src(%dma_wait3A_189 : memref<10000xi32, #tpu.memory_space<hbm>>) dst(%arg6 : memref<10000xi32, #tpu.memory_space<vmem>>)
      tpu.yield
    }) : () -> ()
    "tpu.region"() ({
      %run_scoped3A = tpu.sem_alloc : memref<!tpu.dma_semaphore, #tpu.memory_space<semaphore_mem>>
      %dma_start3A_178 = arith.constant 0 : i32
      %dma_start3A_179 = arith.constant 0 : i32
      %dma_start3A_180 = tpu.memref_slice %arg4[%arg1, %dma_start3A_178, %dma_start3A_179] : memref<16x125x80xi32, #tpu.memory_space<hbm>> -> memref<1x125x80xi32, #tpu.memory_space<hbm>>
      %dma_start3A_181 = tpu.memref_squeeze %dma_start3A_180 : memref<1x125x80xi32, #tpu.memory_space<hbm>> -> memref<125x80xi32, #tpu.memory_space<hbm>>
      %dma_start3A_182 = arith.constant 0 : i32
      %dma_start3A_183 = arith.constant 0 : i32
      %dma_start3A_184 = tpu.memref_slice %arg4[%arg1, %dma_start3A_182, %dma_start3A_183] : memref<16x125x80xi32, #tpu.memory_space<hbm>> -> memref<1x125x80xi32, #tpu.memory_space<hbm>>
      %dma_start3A_185 = tpu.memref_squeeze %dma_start3A_184 : memref<1x125x80xi32, #tpu.memory_space<hbm>> -> memref<125x80xi32, #tpu.memory_space<hbm>>
      tpu.enqueue_dma source(%dma_start3A_185 : memref<125x80xi32, #tpu.memory_space<hbm>>) target(%arg7 : memref<125x80xi32, #tpu.memory_space<vmem>>) target_semaphore(%run_scoped3A : memref<!tpu.dma_semaphore, #tpu.memory_space<semaphore_mem>>)
      %dma_wait3A_186 = arith.constant 0 : i32
      %dma_wait3A_187 = arith.constant 0 : i32
      %dma_wait3A_188 = tpu.memref_slice %arg4[%arg1, %dma_wait3A_186, %dma_wait3A_187] : memref<16x125x80xi32, #tpu.memory_space<hbm>> -> memref<1x125x80xi32, #tpu.memory_space<hbm>>
      %dma_wait3A_189 = tpu.memref_squeeze %dma_wait3A_188 : memref<1x125x80xi32, #tpu.memory_space<hbm>> -> memref<125x80xi32, #tpu.memory_space<hbm>>
      %dma_wait3A_190 = arith.constant 0 : i32
      %dma_wait3A_191 = arith.constant 0 : i32
      %dma_wait3A_192 = tpu.memref_slice %arg4[%arg1, %dma_wait3A_190, %dma_wait3A_191] : memref<16x125x80xi32, #tpu.memory_space<hbm>> -> memref<1x125x80xi32, #tpu.memory_space<hbm>>
      %dma_wait3A_193 = tpu.memref_squeeze %dma_wait3A_192 : memref<1x125x80xi32, #tpu.memory_space<hbm>> -> memref<125x80xi32, #tpu.memory_space<hbm>>
      tpu.wait_dma2 semaphore(%run_scoped3A : memref<!tpu.dma_semaphore, #tpu.memory_space<semaphore_mem>>) src(%dma_wait3A_193 : memref<125x80xi32, #tpu.memory_space<hbm>>) dst(%arg7 : memref<125x80xi32, #tpu.memory_space<vmem>>)
      tpu.yield
    }) : () -> ()
    %dma_start3A = arith.constant 0 : i32
    %dma_start3A_1 = tpu.memref_slice %arg6[%dma_start3A] : memref<10000xi32, #tpu.memory_space<vmem>> -> memref<80xi32, #tpu.memory_space<vmem>>
    %dma_start3A_2 = arith.constant 0 : i32
    %dma_start3A_3 = tpu.memref_slice %arg2[%dma_start3A_2, %mul3A_0] : memref<10000x256xf32, #tpu.memory_space<hbm>> -> memref<10000x128xf32, #tpu.memory_space<hbm>>
    tpu.enqueue_indirect_dma source(%dma_start3A_3 : memref<10000x128xf32, #tpu.memory_space<hbm>>) target(%arg8 : memref<80x128xf32, #tpu.memory_space<vmem>>) offsets(%dma_start3A_1 : memref<80xi32, #tpu.memory_space<vmem>>) semaphore(%arg11 : memref<!tpu.dma_semaphore, #tpu.memory_space<semaphore_mem>>)
    %scan3A = arith.constant 0 : i32
    %scan3A_4 = arith.constant 0 : i32
    %scan3A_5 = arith.constant 80 : i32
    %scan3A_6 = arith.addi %scan3A_4, %scan3A_5 : i32
    %scan3A_7 = arith.constant 1 : i32
    %scan3A_8 = scf.for %scan3A_178 = %scan3A_4 to %scan3A_6 step %scan3A_7 iter_args(%scan3A_179 = %scan3A) -> (i32)  : i32 {
      %scan3A_180 = arith.constant 0 : i32
      %scan3A_181 = arith.constant 0 : i32
      %scan3A_182 = arith.constant 8 : i32
      %scan3A_183 = arith.addi %scan3A_181, %scan3A_182 : i32
      %scan3A_184 = arith.constant 1 : i32
      %scan3A_185 = scf.for %scan3A_187 = %scan3A_181 to %scan3A_183 step %scan3A_184 iter_args(%scan3A_188 = %scan3A_180) -> (i32)  : i32 {
        %broadcast_in_dim3A = arith.constant 0.000000e+00 : f32
        %broadcast_in_dim3A_189 = vector.broadcast %broadcast_in_dim3A : f32 to vector<16xf32>
        %mul3A_190 = arith.constant 16 : i32
        %mul3A_191 = arith.muli %scan3A_187, %mul3A_190 : i32
        %swap3A = arith.index_cast %scan3A_178 : i32 to index
        %swap3A_192 = arith.index_cast %mul3A_191 : i32 to index
        %swap3A_193 = tpu.vector_load %arg9[%swap3A, %swap3A_192] {strides = array<i32>} : memref<80x128xf32, #tpu.memory_space<vmem>>, vector<1x16xf32>,
        %swap3A_194 = vector.shape_cast %swap3A_193 : vector<1x16xf32> to vector<16xf32>
        %swap3A_195 = vector.shape_cast %broadcast_in_dim3A_189 : vector<16xf32> to vector<1x16xf32>
        tpu.vector_store %arg9[%swap3A, %swap3A_192], %swap3A_195 {strides = array<i32>} : memref<80x128xf32, #tpu.memory_space<vmem>>, vector<1x16xf32>,
        %scan3A_196 = arith.constant 0 : i32
        scf.yield %scan3A_196 : i32
      }
      %scan3A_186 = arith.constant 8 : i32
      scf.yield %scan3A_185 : i32
    }
    %scan3A_9 = arith.constant 80 : i32
    %mul3A_10 = arith.constant 625 : i32
    %mul3A_11 = arith.muli %arg1, %mul3A_10 : i32
    %add3A = arith.constant 0 : i32
    %add3A_12 = arith.addi %mul3A_11, %add3A : i32
    %dma_start3A_13 = arith.constant 0 : i32
    %dma_start3A_14 = tpu.memref_slice %arg10[%add3A_12, %dma_start3A_13] : memref<10000x128xf32, #tpu.memory_space<vmem_shared>> -> memref<80x128xf32, #tpu.memory_space<vmem_shared>>
    %dma_start3A_15 = arith.constant 0 : i32
    %dma_start3A_16 = tpu.memref_slice %arg10[%add3A_12, %dma_start3A_15] : memref<10000x128xf32, #tpu.memory_space<vmem_shared>> -> memref<80x128xf32, #tpu.memory_space<vmem_shared>>
    tpu.enqueue_dma source(%arg9 : memref<80x128xf32, #tpu.memory_space<vmem>>) target(%dma_start3A_16 : memref<80x128xf32, #tpu.memory_space<vmem_shared>>) target_semaphore(%arg14 : memref<!tpu.dma_semaphore, #tpu.memory_space<semaphore_mem>>)
    %add3A_17 = arith.constant 80 : i32
    %add3A_18 = arith.addi %mul3A_11, %add3A_17 : i32
    %dma_start3A_19 = arith.constant 0 : i32
    %dma_start3A_20 = tpu.memref_slice %arg10[%add3A_18, %dma_start3A_19] : memref<10000x128xf32, #tpu.memory_space<vmem_shared>> -> memref<80x128xf32, #tpu.memory_space<vmem_shared>>
    %dma_start3A_21 = arith.constant 0 : i32
    %dma_start3A_22 = tpu.memref_slice %arg10[%add3A_18, %dma_start3A_21] : memref<10000x128xf32, #tpu.memory_space<vmem_shared>> -> memref<80x128xf32, #tpu.memory_space<vmem_shared>>
    tpu.enqueue_dma source(%arg9 : memref<80x128xf32, #tpu.memory_space<vmem>>) target(%dma_start3A_22 : memref<80x128xf32, #tpu.memory_space<vmem_shared>>) target_semaphore(%arg14 : memref<!tpu.dma_semaphore, #tpu.memory_space<semaphore_mem>>)
    %add3A_23 = arith.constant 160 : i32
    %add3A_24 = arith.addi %mul3A_11, %add3A_23 : i32
    %dma_start3A_25 = arith.constant 0 : i32
    %dma_start3A_26 = tpu.memref_slice %arg10[%add3A_24, %dma_start3A_25] : memref<10000x128xf32, #tpu.memory_space<vmem_shared>> -> memref<80x128xf32, #tpu.memory_space<vmem_shared>>
    %dma_start3A_27 = arith.constant 0 : i32
    %dma_start3A_28 = tpu.memref_slice %arg10[%add3A_24, %dma_start3A_27] : memref<10000x128xf32, #tpu.memory_space<vmem_shared>> -> memref<80x128xf32, #tpu.memory_space<vmem_shared>>
    tpu.enqueue_dma source(%arg9 : memref<80x128xf32, #tpu.memory_space<vmem>>) target(%dma_start3A_28 : memref<80x128xf32, #tpu.memory_space<vmem_shared>>) target_semaphore(%arg14 : memref<!tpu.dma_semaphore, #tpu.memory_space<semaphore_mem>>)
    %add3A_29 = arith.constant 240 : i32
    %add3A_30 = arith.addi %mul3A_11, %add3A_29 : i32
    %dma_start3A_31 = arith.constant 0 : i32
    %dma_start3A_32 = tpu.memref_slice %arg10[%add3A_30, %dma_start3A_31] : memref<10000x128xf32, #tpu.memory_space<vmem_shared>> -> memref<80x128xf32, #tpu.memory_space<vmem_shared>>
    %dma_start3A_33 = arith.constant 0 : i32
    %dma_start3A_34 = tpu.memref_slice %arg10[%add3A_30, %dma_start3A_33] : memref<10000x128xf32, #tpu.memory_space<vmem_shared>> -> memref<80x128xf32, #tpu.memory_space<vmem_shared>>
    tpu.enqueue_dma source(%arg9 : memref<80x128xf32, #tpu.memory_space<vmem>>) target(%dma_start3A_34 : memref<80x128xf32, #tpu.memory_space<vmem_shared>>) target_semaphore(%arg14 : memref<!tpu.dma_semaphore, #tpu.memory_space<semaphore_mem>>)
    %add3A_35 = arith.constant 320 : i32
    %add3A_36 = arith.addi %mul3A_11, %add3A_35 : i32
    %dma_start3A_37 = arith.constant 0 : i32
    %dma_start3A_38 = tpu.memref_slice %arg10[%add3A_36, %dma_start3A_37] : memref<10000x128xf32, #tpu.memory_space<vmem_shared>> -> memref<80x128xf32, #tpu.memory_space<vmem_shared>>
    %dma_start3A_39 = arith.constant 0 : i32
    %dma_start3A_40 = tpu.memref_slice %arg10[%add3A_36, %dma_start3A_39] : memref<10000x128xf32, #tpu.memory_space<vmem_shared>> -> memref<80x128xf32, #tpu.memory_space<vmem_shared>>
    tpu.enqueue_dma source(%arg9 : memref<80x128xf32, #tpu.memory_space<vmem>>) target(%dma_start3A_40 : memref<80x128xf32, #tpu.memory_space<vmem_shared>>) target_semaphore(%arg14 : memref<!tpu.dma_semaphore, #tpu.memory_space<semaphore_mem>>)
    %add3A_41 = arith.constant 400 : i32
    %add3A_42 = arith.addi %mul3A_11, %add3A_41 : i32
    %dma_start3A_43 = arith.constant 0 : i32
    %dma_start3A_44 = tpu.memref_slice %arg10[%add3A_42, %dma_start3A_43] : memref<10000x128xf32, #tpu.memory_space<vmem_shared>> -> memref<80x128xf32, #tpu.memory_space<vmem_shared>>
    %dma_start3A_45 = arith.constant 0 : i32
    %dma_start3A_46 = tpu.memref_slice %arg10[%add3A_42, %dma_start3A_45] : memref<10000x128xf32, #tpu.memory_space<vmem_shared>> -> memref<80x128xf32, #tpu.memory_space<vmem_shared>>
    tpu.enqueue_dma source(%arg9 : memref<80x128xf32, #tpu.memory_space<vmem>>) target(%dma_start3A_46 : memref<80x128xf32, #tpu.memory_space<vmem_shared>>) target_semaphore(%arg14 : memref<!tpu.dma_semaphore, #tpu.memory_space<semaphore_mem>>)
    %add3A_47 = arith.constant 480 : i32
    %add3A_48 = arith.addi %mul3A_11, %add3A_47 : i32
    %dma_start3A_49 = arith.constant 0 : i32
    %dma_start3A_50 = tpu.memref_slice %arg10[%add3A_48, %dma_start3A_49] : memref<10000x128xf32, #tpu.memory_space<vmem_shared>> -> memref<80x128xf32, #tpu.memory_space<vmem_shared>>
    %dma_start3A_51 = arith.constant 0 : i32
    %dma_start3A_52 = tpu.memref_slice %arg10[%add3A_48, %dma_start3A_51] : memref<10000x128xf32, #tpu.memory_space<vmem_shared>> -> memref<80x128xf32, #tpu.memory_space<vmem_shared>>
    tpu.enqueue_dma source(%arg9 : memref<80x128xf32, #tpu.memory_space<vmem>>) target(%dma_start3A_52 : memref<80x128xf32, #tpu.memory_space<vmem_shared>>) target_semaphore(%arg14 : memref<!tpu.dma_semaphore, #tpu.memory_space<semaphore_mem>>)
    %add3A_53 = arith.constant 560 : i32
    %add3A_54 = arith.addi %mul3A_11, %add3A_53 : i32
    %dma_start3A_55 = arith.constant 0 : i32
    %dma_start3A_56 = arith.constant 0 : i32
    %dma_start3A_57 = tpu.memref_slice %arg9[%dma_start3A_55, %dma_start3A_56] : memref<80x128xf32, #tpu.memory_space<vmem>> -> memref<65x128xf32, #tpu.memory_space<vmem>>
    %dma_start3A_58 = arith.constant 0 : i32
    %dma_start3A_59 = tpu.memref_slice %arg10[%add3A_54, %dma_start3A_58] : memref<10000x128xf32, #tpu.memory_space<vmem_shared>> -> memref<65x128xf32, #tpu.memory_space<vmem_shared>>
    %dma_start3A_60 = arith.constant 0 : i32
    %dma_start3A_61 = tpu.memref_slice %arg10[%add3A_54, %dma_start3A_60] : memref<10000x128xf32, #tpu.memory_space<vmem_shared>> -> memref<65x128xf32, #tpu.memory_space<vmem_shared>>
    %dma_start3A_62 = arith.constant 0 : i32
    %dma_start3A_63 = arith.constant 0 : i32
    %dma_start3A_64 = tpu.memref_slice %arg9[%dma_start3A_62, %dma_start3A_63] : memref<80x128xf32, #tpu.memory_space<vmem>> -> memref<65x128xf32, #tpu.memory_space<vmem>>
    tpu.enqueue_dma source(%dma_start3A_64 : memref<65x128xf32, #tpu.memory_space<vmem>>) target(%dma_start3A_61 : memref<65x128xf32, #tpu.memory_space<vmem_shared>>) target_semaphore(%arg14 : memref<!tpu.dma_semaphore, #tpu.memory_space<semaphore_mem>>)
    %dma_wait3A = arith.constant 0 : i32
    %dma_wait3A_65 = tpu.memref_slice %arg10[%add3A_12, %dma_wait3A] : memref<10000x128xf32, #tpu.memory_space<vmem_shared>> -> memref<80x128xf32, #tpu.memory_space<vmem_shared>>
    %dma_wait3A_66 = arith.constant 0 : i32
    %dma_wait3A_67 = tpu.memref_slice %arg10[%add3A_12, %dma_wait3A_66] : memref<10000x128xf32, #tpu.memory_space<vmem_shared>> -> memref<80x128xf32, #tpu.memory_space<vmem_shared>>
    tpu.wait_dma2 semaphore(%arg14 : memref<!tpu.dma_semaphore, #tpu.memory_space<semaphore_mem>>) src(%arg9 : memref<80x128xf32, #tpu.memory_space<vmem>>) dst(%dma_wait3A_67 : memref<80x128xf32, #tpu.memory_space<vmem_shared>>)
    %dma_wait3A_68 = arith.constant 0 : i32
    %dma_wait3A_69 = tpu.memref_slice %arg10[%add3A_18, %dma_wait3A_68] : memref<10000x128xf32, #tpu.memory_space<vmem_shared>> -> memref<80x128xf32, #tpu.memory_space<vmem_shared>>
    %dma_wait3A_70 = arith.constant 0 : i32
    %dma_wait3A_71 = tpu.memref_slice %arg10[%add3A_18, %dma_wait3A_70] : memref<10000x128xf32, #tpu.memory_space<vmem_shared>> -> memref<80x128xf32, #tpu.memory_space<vmem_shared>>
    tpu.wait_dma2 semaphore(%arg14 : memref<!tpu.dma_semaphore, #tpu.memory_space<semaphore_mem>>) src(%arg9 : memref<80x128xf32, #tpu.memory_space<vmem>>) dst(%dma_wait3A_71 : memref<80x128xf32, #tpu.memory_space<vmem_shared>>)
    %dma_wait3A_72 = arith.constant 0 : i32
    %dma_wait3A_73 = tpu.memref_slice %arg10[%add3A_24, %dma_wait3A_72] : memref<10000x128xf32, #tpu.memory_space<vmem_shared>> -> memref<80x128xf32, #tpu.memory_space<vmem_shared>>
    %dma_wait3A_74 = arith.constant 0 : i32
    %dma_wait3A_75 = tpu.memref_slice %arg10[%add3A_24, %dma_wait3A_74] : memref<10000x128xf32, #tpu.memory_space<vmem_shared>> -> memref<80x128xf32, #tpu.memory_space<vmem_shared>>
    tpu.wait_dma2 semaphore(%arg14 : memref<!tpu.dma_semaphore, #tpu.memory_space<semaphore_mem>>) src(%arg9 : memref<80x128xf32, #tpu.memory_space<vmem>>) dst(%dma_wait3A_75 : memref<80x128xf32, #tpu.memory_space<vmem_shared>>)
    %dma_wait3A_76 = arith.constant 0 : i32
    %dma_wait3A_77 = tpu.memref_slice %arg10[%add3A_30, %dma_wait3A_76] : memref<10000x128xf32, #tpu.memory_space<vmem_shared>> -> memref<80x128xf32, #tpu.memory_space<vmem_shared>>
    %dma_wait3A_78 = arith.constant 0 : i32
    %dma_wait3A_79 = tpu.memref_slice %arg10[%add3A_30, %dma_wait3A_78] : memref<10000x128xf32, #tpu.memory_space<vmem_shared>> -> memref<80x128xf32, #tpu.memory_space<vmem_shared>>
    tpu.wait_dma2 semaphore(%arg14 : memref<!tpu.dma_semaphore, #tpu.memory_space<semaphore_mem>>) src(%arg9 : memref<80x128xf32, #tpu.memory_space<vmem>>) dst(%dma_wait3A_79 : memref<80x128xf32, #tpu.memory_space<vmem_shared>>)
    %dma_wait3A_80 = arith.constant 0 : i32
    %dma_wait3A_81 = tpu.memref_slice %arg10[%add3A_36, %dma_wait3A_80] : memref<10000x128xf32, #tpu.memory_space<vmem_shared>> -> memref<80x128xf32, #tpu.memory_space<vmem_shared>>
    %dma_wait3A_82 = arith.constant 0 : i32
    %dma_wait3A_83 = tpu.memref_slice %arg10[%add3A_36, %dma_wait3A_82] : memref<10000x128xf32, #tpu.memory_space<vmem_shared>> -> memref<80x128xf32, #tpu.memory_space<vmem_shared>>
    tpu.wait_dma2 semaphore(%arg14 : memref<!tpu.dma_semaphore, #tpu.memory_space<semaphore_mem>>) src(%arg9 : memref<80x128xf32, #tpu.memory_space<vmem>>) dst(%dma_wait3A_83 : memref<80x128xf32, #tpu.memory_space<vmem_shared>>)
    %dma_wait3A_84 = arith.constant 0 : i32
    %dma_wait3A_85 = tpu.memref_slice %arg10[%add3A_42, %dma_wait3A_84] : memref<10000x128xf32, #tpu.memory_space<vmem_shared>> -> memref<80x128xf32, #tpu.memory_space<vmem_shared>>
    %dma_wait3A_86 = arith.constant 0 : i32
    %dma_wait3A_87 = tpu.memref_slice %arg10[%add3A_42, %dma_wait3A_86] : memref<10000x128xf32, #tpu.memory_space<vmem_shared>> -> memref<80x128xf32, #tpu.memory_space<vmem_shared>>
    tpu.wait_dma2 semaphore(%arg14 : memref<!tpu.dma_semaphore, #tpu.memory_space<semaphore_mem>>) src(%arg9 : memref<80x128xf32, #tpu.memory_space<vmem>>) dst(%dma_wait3A_87 : memref<80x128xf32, #tpu.memory_space<vmem_shared>>)
    %dma_wait3A_88 = arith.constant 0 : i32
    %dma_wait3A_89 = tpu.memref_slice %arg10[%add3A_48, %dma_wait3A_88] : memref<10000x128xf32, #tpu.memory_space<vmem_shared>> -> memref<80x128xf32, #tpu.memory_space<vmem_shared>>
    %dma_wait3A_90 = arith.constant 0 : i32
    %dma_wait3A_91 = tpu.memref_slice %arg10[%add3A_48, %dma_wait3A_90] : memref<10000x128xf32, #tpu.memory_space<vmem_shared>> -> memref<80x128xf32, #tpu.memory_space<vmem_shared>>
    tpu.wait_dma2 semaphore(%arg14 : memref<!tpu.dma_semaphore, #tpu.memory_space<semaphore_mem>>) src(%arg9 : memref<80x128xf32, #tpu.memory_space<vmem>>) dst(%dma_wait3A_91 : memref<80x128xf32, #tpu.memory_space<vmem_shared>>)
    %dma_wait3A_92 = arith.constant 0 : i32
    %dma_wait3A_93 = arith.constant 0 : i32
    %dma_wait3A_94 = tpu.memref_slice %arg9[%dma_wait3A_92, %dma_wait3A_93] : memref<80x128xf32, #tpu.memory_space<vmem>> -> memref<65x128xf32, #tpu.memory_space<vmem>>
    %dma_wait3A_95 = arith.constant 0 : i32
    %dma_wait3A_96 = tpu.memref_slice %arg10[%add3A_54, %dma_wait3A_95] : memref<10000x128xf32, #tpu.memory_space<vmem_shared>> -> memref<65x128xf32, #tpu.memory_space<vmem_shared>>
    %dma_wait3A_97 = arith.constant 0 : i32
    %dma_wait3A_98 = tpu.memref_slice %arg10[%add3A_54, %dma_wait3A_97] : memref<10000x128xf32, #tpu.memory_space<vmem_shared>> -> memref<65x128xf32, #tpu.memory_space<vmem_shared>>
    %dma_wait3A_99 = arith.constant 0 : i32
    %dma_wait3A_100 = arith.constant 0 : i32
    %dma_wait3A_101 = tpu.memref_slice %arg9[%dma_wait3A_99, %dma_wait3A_100] : memref<80x128xf32, #tpu.memory_space<vmem>> -> memref<65x128xf32, #tpu.memory_space<vmem>>
    tpu.wait_dma2 semaphore(%arg14 : memref<!tpu.dma_semaphore, #tpu.memory_space<semaphore_mem>>) src(%dma_wait3A_101 : memref<65x128xf32, #tpu.memory_space<vmem>>) dst(%dma_wait3A_98 : memref<65x128xf32, #tpu.memory_space<vmem_shared>>)
    %barrier3A = arith.constant 0 : index
    tpu.barrier barrier_id(%barrier3A)
    %dma_start3A_102 = arith.constant 80 : i32
    %dma_start3A_103 = tpu.memref_slice %arg6[%dma_start3A_102] : memref<10000xi32, #tpu.memory_space<vmem>> -> memref<80xi32, #tpu.memory_space<vmem>>
    %dma_start3A_104 = arith.constant 0 : i32
    %dma_start3A_105 = tpu.memref_slice %arg2[%dma_start3A_104, %mul3A_0] : memref<10000x256xf32, #tpu.memory_space<hbm>> -> memref<10000x128xf32, #tpu.memory_space<hbm>>
    tpu.enqueue_indirect_dma source(%dma_start3A_105 : memref<10000x128xf32, #tpu.memory_space<hbm>>) target(%arg9 : memref<80x128xf32, #tpu.memory_space<vmem>>) offsets(%dma_start3A_103 : memref<80xi32, #tpu.memory_space<vmem>>) semaphore(%arg12 : memref<!tpu.dma_semaphore, #tpu.memory_space<semaphore_mem>>)
    %dma_wait3A_106 = arith.constant 0 : i32
    %dma_wait3A_107 = tpu.memref_slice %arg6[%dma_wait3A_106] : memref<10000xi32, #tpu.memory_space<vmem>> -> memref<80xi32, #tpu.memory_space<vmem>>
    %dma_wait3A_108 = arith.constant 0 : i32
    %dma_wait3A_109 = tpu.memref_slice %arg2[%dma_wait3A_108, %mul3A_0] : memref<10000x256xf32, #tpu.memory_space<hbm>> -> memref<10000x128xf32, #tpu.memory_space<hbm>>
    tpu.wait_indirect_dma semaphore(%arg11 : memref<!tpu.dma_semaphore, #tpu.memory_space<semaphore_mem>>) src(%dma_wait3A_109 : memref<10000x128xf32, #tpu.memory_space<hbm>>) dst(%arg8 : memref<80x128xf32, #tpu.memory_space<vmem>>)
    %dma_start3A_110 = arith.constant 0 : i32
    %dma_start3A_111 = arith.constant 0 : i32
    %dma_start3A_112 = tpu.memref_slice %arg7[%dma_start3A_110, %dma_start3A_111] : memref<125x80xi32, #tpu.memory_space<vmem>> -> memref<1x80xi32, #tpu.memory_space<vmem>>
    %dma_start3A_113 = tpu.memref_squeeze %dma_start3A_112 : memref<1x80xi32, #tpu.memory_space<vmem>> -> memref<80xi32, #tpu.memory_space<vmem>>
    %dma_start3A_114 = arith.constant 0 : i32
    %dma_start3A_115 = arith.constant 0 : i32
    %dma_start3A_116 = tpu.memref_slice %arg10[%dma_start3A_114, %dma_start3A_115] : memref<10000x128xf32, #tpu.memory_space<vmem_shared>> -> memref<10000x128xf32, #tpu.memory_space<vmem_shared>>
    tpu.enqueue_indirect_dma source(%arg8 : memref<80x128xf32, #tpu.memory_space<vmem>>) target(%dma_start3A_116 : memref<10000x128xf32, #tpu.memory_space<vmem_shared>>) offsets(%dma_start3A_113 : memref<80xi32, #tpu.memory_space<vmem>>) semaphore(%arg13 : memref<!tpu.dma_semaphore, #tpu.memory_space<semaphore_mem>>) {add = true}
    %scan3A_117 = arith.constant 0 : i32
    %scan3A_118 = arith.constant 0 : i32
    %scan3A_119 = arith.constant 61 : i32
    %scan3A_120 = arith.addi %scan3A_118, %scan3A_119 : i32
    %scan3A_121 = arith.constant 1 : i32
    %scan3A_122 = scf.for %scan3A_178 = %scan3A_118 to %scan3A_120 step %scan3A_121 iter_args(%scan3A_179 = %scan3A_117) -> (i32)  : i32 {
      %mul3A_180 = arith.constant 2 : i32
      %mul3A_181 = arith.muli %mul3A_180, %scan3A_178 : i32
      %add3A_182 = arith.constant 1 : i32
      %add3A_183 = arith.addi %mul3A_181, %add3A_182 : i32
      %sub3A = arith.constant 1 : i32
      %sub3A_184 = arith.subi %add3A_183, %sub3A : i32
      %dma_wait3A_185 = arith.constant 0 : i32
      %dma_wait3A_186 = tpu.memref_slice %arg7[%sub3A_184, %dma_wait3A_185] : memref<125x80xi32, #tpu.memory_space<vmem>> -> memref<1x80xi32, #tpu.memory_space<vmem>>
      %dma_wait3A_187 = tpu.memref_squeeze %dma_wait3A_186 : memref<1x80xi32, #tpu.memory_space<vmem>> -> memref<80xi32, #tpu.memory_space<vmem>>
      %dma_wait3A_188 = arith.constant 0 : i32
      %dma_wait3A_189 = arith.constant 0 : i32
      %dma_wait3A_190 = tpu.memref_slice %arg10[%dma_wait3A_188, %dma_wait3A_189] : memref<10000x128xf32, #tpu.memory_space<vmem_shared>> -> memref<10000x128xf32, #tpu.memory_space<vmem_shared>>
      tpu.wait_indirect_dma semaphore(%arg13 : memref<!tpu.dma_semaphore, #tpu.memory_space<semaphore_mem>>) src(%arg8 : memref<80x128xf32, #tpu.memory_space<vmem>>) dst(%dma_wait3A_190 : memref<10000x128xf32, #tpu.memory_space<vmem_shared>>)
      %add3A_191 = arith.constant 1 : i32
      %add3A_192 = arith.addi %add3A_183, %add3A_191 : i32
      %mul3A_193 = arith.constant 80 : i32
      %mul3A_194 = arith.muli %add3A_192, %mul3A_193 : i32
      %dma_start3A_195 = tpu.memref_slice %arg6[%mul3A_194] : memref<10000xi32, #tpu.memory_space<vmem>> -> memref<80xi32, #tpu.memory_space<vmem>>
      %dma_start3A_196 = arith.constant 0 : i32
      %dma_start3A_197 = tpu.memref_slice %arg2[%dma_start3A_196, %mul3A_0] : memref<10000x256xf32, #tpu.memory_space<hbm>> -> memref<10000x128xf32, #tpu.memory_space<hbm>>
      tpu.enqueue_indirect_dma source(%dma_start3A_197 : memref<10000x128xf32, #tpu.memory_space<hbm>>) target(%arg8 : memref<80x128xf32, #tpu.memory_space<vmem>>) offsets(%dma_start3A_195 : memref<80xi32, #tpu.memory_space<vmem>>) semaphore(%arg11 : memref<!tpu.dma_semaphore, #tpu.memory_space<semaphore_mem>>)
      %mul3A_198 = arith.constant 80 : i32
      %mul3A_199 = arith.muli %add3A_183, %mul3A_198 : i32
      %dma_wait3A_200 = tpu.memref_slice %arg6[%mul3A_199] : memref<10000xi32, #tpu.memory_space<vmem>> -> memref<80xi32, #tpu.memory_space<vmem>>
      %dma_wait3A_201 = arith.constant 0 : i32
      %dma_wait3A_202 = tpu.memref_slice %arg2[%dma_wait3A_201, %mul3A_0] : memref<10000x256xf32, #tpu.memory_space<hbm>> -> memref<10000x128xf32, #tpu.memory_space<hbm>>
      tpu.wait_indirect_dma semaphore(%arg12 : memref<!tpu.dma_semaphore, #tpu.memory_space<semaphore_mem>>) src(%dma_wait3A_202 : memref<10000x128xf32, #tpu.memory_space<hbm>>) dst(%arg9 : memref<80x128xf32, #tpu.memory_space<vmem>>)
      %dma_start3A_203 = arith.constant 0 : i32
      %dma_start3A_204 = tpu.memref_slice %arg7[%add3A_183, %dma_start3A_203] : memref<125x80xi32, #tpu.memory_space<vmem>> -> memref<1x80xi32, #tpu.memory_space<vmem>>
      %dma_start3A_205 = tpu.memref_squeeze %dma_start3A_204 : memref<1x80xi32, #tpu.memory_space<vmem>> -> memref<80xi32, #tpu.memory_space<vmem>>
      %dma_start3A_206 = arith.constant 0 : i32
      %dma_start3A_207 = arith.constant 0 : i32
      %dma_start3A_208 = tpu.memref_slice %arg10[%dma_start3A_206, %dma_start3A_207] : memref<10000x128xf32, #tpu.memory_space<vmem_shared>> -> memref<10000x128xf32, #tpu.memory_space<vmem_shared>>
      tpu.enqueue_indirect_dma source(%arg9 : memref<80x128xf32, #tpu.memory_space<vmem>>) target(%dma_start3A_208 : memref<10000x128xf32, #tpu.memory_space<vmem_shared>>) offsets(%dma_start3A_205 : memref<80xi32, #tpu.memory_space<vmem>>) semaphore(%arg14 : memref<!tpu.dma_semaphore, #tpu.memory_space<semaphore_mem>>) {add = true}
      %dma_wait3A_209 = arith.constant 0 : i32
      %dma_wait3A_210 = tpu.memref_slice %arg7[%add3A_183, %dma_wait3A_209] : memref<125x80xi32, #tpu.memory_space<vmem>> -> memref<1x80xi32, #tpu.memory_space<vmem>>
      %dma_wait3A_211 = tpu.memref_squeeze %dma_wait3A_210 : memref<1x80xi32, #tpu.memory_space<vmem>> -> memref<80xi32, #tpu.memory_space<vmem>>
      %dma_wait3A_212 = arith.constant 0 : i32
      %dma_wait3A_213 = arith.constant 0 : i32
      %dma_wait3A_214 = tpu.memref_slice %arg10[%dma_wait3A_212, %dma_wait3A_213] : memref<10000x128xf32, #tpu.memory_space<vmem_shared>> -> memref<10000x128xf32, #tpu.memory_space<vmem_shared>>
      tpu.wait_indirect_dma semaphore(%arg14 : memref<!tpu.dma_semaphore, #tpu.memory_space<semaphore_mem>>) src(%arg9 : memref<80x128xf32, #tpu.memory_space<vmem>>) dst(%dma_wait3A_214 : memref<10000x128xf32, #tpu.memory_space<vmem_shared>>)
      %add3A_215 = arith.constant 2 : i32
      %add3A_216 = arith.addi %add3A_183, %add3A_215 : i32
      %mul3A_217 = arith.constant 80 : i32
      %mul3A_218 = arith.muli %add3A_216, %mul3A_217 : i32
      %dma_start3A_219 = tpu.memref_slice %arg6[%mul3A_218] : memref<10000xi32, #tpu.memory_space<vmem>> -> memref<80xi32, #tpu.memory_space<vmem>>
      %dma_start3A_220 = arith.constant 0 : i32
      %dma_start3A_221 = tpu.memref_slice %arg2[%dma_start3A_220, %mul3A_0] : memref<10000x256xf32, #tpu.memory_space<hbm>> -> memref<10000x128xf32, #tpu.memory_space<hbm>>
      tpu.enqueue_indirect_dma source(%dma_start3A_221 : memref<10000x128xf32, #tpu.memory_space<hbm>>) target(%arg9 : memref<80x128xf32, #tpu.memory_space<vmem>>) offsets(%dma_start3A_219 : memref<80xi32, #tpu.memory_space<vmem>>) semaphore(%arg12 : memref<!tpu.dma_semaphore, #tpu.memory_space<semaphore_mem>>)
      %add3A_222 = arith.constant 1 : i32
      %add3A_223 = arith.addi %add3A_183, %add3A_222 : i32
      %mul3A_224 = arith.constant 80 : i32
      %mul3A_225 = arith.muli %add3A_223, %mul3A_224 : i32
      %dma_wait3A_226 = tpu.memref_slice %arg6[%mul3A_225] : memref<10000xi32, #tpu.memory_space<vmem>> -> memref<80xi32, #tpu.memory_space<vmem>>
      %dma_wait3A_227 = arith.constant 0 : i32
      %dma_wait3A_228 = tpu.memref_slice %arg2[%dma_wait3A_227, %mul3A_0] : memref<10000x256xf32, #tpu.memory_space<hbm>> -> memref<10000x128xf32, #tpu.memory_space<hbm>>
      tpu.wait_indirect_dma semaphore(%arg11 : memref<!tpu.dma_semaphore, #tpu.memory_space<semaphore_mem>>) src(%dma_wait3A_228 : memref<10000x128xf32, #tpu.memory_space<hbm>>) dst(%arg8 : memref<80x128xf32, #tpu.memory_space<vmem>>)
      %add3A_229 = arith.constant 1 : i32
      %add3A_230 = arith.addi %add3A_183, %add3A_229 : i32
      %dma_start3A_231 = arith.constant 0 : i32
      %dma_start3A_232 = tpu.memref_slice %arg7[%add3A_230, %dma_start3A_231] : memref<125x80xi32, #tpu.memory_space<vmem>> -> memref<1x80xi32, #tpu.memory_space<vmem>>
      %dma_start3A_233 = tpu.memref_squeeze %dma_start3A_232 : memref<1x80xi32, #tpu.memory_space<vmem>> -> memref<80xi32, #tpu.memory_space<vmem>>
      %dma_start3A_234 = arith.constant 0 : i32
      %dma_start3A_235 = arith.constant 0 : i32
      %dma_start3A_236 = tpu.memref_slice %arg10[%dma_start3A_234, %dma_start3A_235] : memref<10000x128xf32, #tpu.memory_space<vmem_shared>> -> memref<10000x128xf32, #tpu.memory_space<vmem_shared>>
      tpu.enqueue_indirect_dma source(%arg8 : memref<80x128xf32, #tpu.memory_space<vmem>>) target(%dma_start3A_236 : memref<10000x128xf32, #tpu.memory_space<vmem_shared>>) offsets(%dma_start3A_233 : memref<80xi32, #tpu.memory_space<vmem>>) semaphore(%arg13 : memref<!tpu.dma_semaphore, #tpu.memory_space<semaphore_mem>>) {add = true}
      %scan3A_237 = arith.constant 0 : i32
      scf.yield %scan3A_237 : i32
    }
    %scan3A_123 = arith.constant 61 : i32
    %dma_wait3A_124 = arith.constant 122 : i32
    %dma_wait3A_125 = arith.constant 0 : i32
    %dma_wait3A_126 = tpu.memref_slice %arg7[%dma_wait3A_124, %dma_wait3A_125] : memref<125x80xi32, #tpu.memory_space<vmem>> -> memref<1x80xi32, #tpu.memory_space<vmem>>
    %dma_wait3A_127 = tpu.memref_squeeze %dma_wait3A_126 : memref<1x80xi32, #tpu.memory_space<vmem>> -> memref<80xi32, #tpu.memory_space<vmem>>
    %dma_wait3A_128 = arith.constant 0 : i32
    %dma_wait3A_129 = arith.constant 0 : i32
    %dma_wait3A_130 = tpu.memref_slice %arg10[%dma_wait3A_128, %dma_wait3A_129] : memref<10000x128xf32, #tpu.memory_space<vmem_shared>> -> memref<10000x128xf32, #tpu.memory_space<vmem_shared>>
    tpu.wait_indirect_dma semaphore(%arg13 : memref<!tpu.dma_semaphore, #tpu.memory_space<semaphore_mem>>) src(%arg8 : memref<80x128xf32, #tpu.memory_space<vmem>>) dst(%dma_wait3A_130 : memref<10000x128xf32, #tpu.memory_space<vmem_shared>>)
    %dma_start3A_131 = arith.constant 9920 : i32
    %dma_start3A_132 = tpu.memref_slice %arg6[%dma_start3A_131] : memref<10000xi32, #tpu.memory_space<vmem>> -> memref<80xi32, #tpu.memory_space<vmem>>
    %dma_start3A_133 = arith.constant 0 : i32
    %dma_start3A_134 = tpu.memref_slice %arg2[%dma_start3A_133, %mul3A_0] : memref<10000x256xf32, #tpu.memory_space<hbm>> -> memref<10000x128xf32, #tpu.memory_space<hbm>>
    tpu.enqueue_indirect_dma source(%dma_start3A_134 : memref<10000x128xf32, #tpu.memory_space<hbm>>) target(%arg8 : memref<80x128xf32, #tpu.memory_space<vmem>>) offsets(%dma_start3A_132 : memref<80xi32, #tpu.memory_space<vmem>>) semaphore(%arg11 : memref<!tpu.dma_semaphore, #tpu.memory_space<semaphore_mem>>)
    %dma_wait3A_135 = arith.constant 9840 : i32
    %dma_wait3A_136 = tpu.memref_slice %arg6[%dma_wait3A_135] : memref<10000xi32, #tpu.memory_space<vmem>> -> memref<80xi32, #tpu.memory_space<vmem>>
    %dma_wait3A_137 = arith.constant 0 : i32
    %dma_wait3A_138 = tpu.memref_slice %arg2[%dma_wait3A_137, %mul3A_0] : memref<10000x256xf32, #tpu.memory_space<hbm>> -> memref<10000x128xf32, #tpu.memory_space<hbm>>
    tpu.wait_indirect_dma semaphore(%arg12 : memref<!tpu.dma_semaphore, #tpu.memory_space<semaphore_mem>>) src(%dma_wait3A_138 : memref<10000x128xf32, #tpu.memory_space<hbm>>) dst(%arg9 : memref<80x128xf32, #tpu.memory_space<vmem>>)
    %dma_start3A_139 = arith.constant 123 : i32
    %dma_start3A_140 = arith.constant 0 : i32
    %dma_start3A_141 = tpu.memref_slice %arg7[%dma_start3A_139, %dma_start3A_140] : memref<125x80xi32, #tpu.memory_space<vmem>> -> memref<1x80xi32, #tpu.memory_space<vmem>>
    %dma_start3A_142 = tpu.memref_squeeze %dma_start3A_141 : memref<1x80xi32, #tpu.memory_space<vmem>> -> memref<80xi32, #tpu.memory_space<vmem>>
    %dma_start3A_143 = arith.constant 0 : i32
    %dma_start3A_144 = arith.constant 0 : i32
    %dma_start3A_145 = tpu.memref_slice %arg10[%dma_start3A_143, %dma_start3A_144] : memref<10000x128xf32, #tpu.memory_space<vmem_shared>> -> memref<10000x128xf32, #tpu.memory_space<vmem_shared>>
    tpu.enqueue_indirect_dma source(%arg9 : memref<80x128xf32, #tpu.memory_space<vmem>>) target(%dma_start3A_145 : memref<10000x128xf32, #tpu.memory_space<vmem_shared>>) offsets(%dma_start3A_142 : memref<80xi32, #tpu.memory_space<vmem>>) semaphore(%arg14 : memref<!tpu.dma_semaphore, #tpu.memory_space<semaphore_mem>>) {add = true}
    %dma_wait3A_146 = arith.constant 123 : i32
    %dma_wait3A_147 = arith.constant 0 : i32
    %dma_wait3A_148 = tpu.memref_slice %arg7[%dma_wait3A_146, %dma_wait3A_147] : memref<125x80xi32, #tpu.memory_space<vmem>> -> memref<1x80xi32, #tpu.memory_space<vmem>>
    %dma_wait3A_149 = tpu.memref_squeeze %dma_wait3A_148 : memref<1x80xi32, #tpu.memory_space<vmem>> -> memref<80xi32, #tpu.memory_space<vmem>>
    %dma_wait3A_150 = arith.constant 0 : i32
    %dma_wait3A_151 = arith.constant 0 : i32
    %dma_wait3A_152 = tpu.memref_slice %arg10[%dma_wait3A_150, %dma_wait3A_151] : memref<10000x128xf32, #tpu.memory_space<vmem_shared>> -> memref<10000x128xf32, #tpu.memory_space<vmem_shared>>
    tpu.wait_indirect_dma semaphore(%arg14 : memref<!tpu.dma_semaphore, #tpu.memory_space<semaphore_mem>>) src(%arg9 : memref<80x128xf32, #tpu.memory_space<vmem>>) dst(%dma_wait3A_152 : memref<10000x128xf32, #tpu.memory_space<vmem_shared>>)
    %dma_wait3A_153 = arith.constant 9920 : i32
    %dma_wait3A_154 = tpu.memref_slice %arg6[%dma_wait3A_153] : memref<10000xi32, #tpu.memory_space<vmem>> -> memref<80xi32, #tpu.memory_space<vmem>>
    %dma_wait3A_155 = arith.constant 0 : i32
    %dma_wait3A_156 = tpu.memref_slice %arg2[%dma_wait3A_155, %mul3A_0] : memref<10000x256xf32, #tpu.memory_space<hbm>> -> memref<10000x128xf32, #tpu.memory_space<hbm>>
    tpu.wait_indirect_dma semaphore(%arg11 : memref<!tpu.dma_semaphore, #tpu.memory_space<semaphore_mem>>) src(%dma_wait3A_156 : memref<10000x128xf32, #tpu.memory_space<hbm>>) dst(%arg8 : memref<80x128xf32, #tpu.memory_space<vmem>>)
    %dma_start3A_157 = arith.constant 124 : i32
    %dma_start3A_158 = arith.constant 0 : i32
    %dma_start3A_159 = tpu.memref_slice %arg7[%dma_start3A_157, %dma_start3A_158] : memref<125x80xi32, #tpu.memory_space<vmem>> -> memref<1x80xi32, #tpu.memory_space<vmem>>
    %dma_start3A_160 = tpu.memref_squeeze %dma_start3A_159 : memref<1x80xi32, #tpu.memory_space<vmem>> -> memref<80xi32, #tpu.memory_space<vmem>>
    %dma_start3A_161 = arith.constant 0 : i32
    %dma_start3A_162 = arith.constant 0 : i32
    %dma_start3A_163 = tpu.memref_slice %arg10[%dma_start3A_161, %dma_start3A_162] : memref<10000x128xf32, #tpu.memory_space<vmem_shared>> -> memref<10000x128xf32, #tpu.memory_space<vmem_shared>>
    tpu.enqueue_indirect_dma source(%arg8 : memref<80x128xf32, #tpu.memory_space<vmem>>) target(%dma_start3A_163 : memref<10000x128xf32, #tpu.memory_space<vmem_shared>>) offsets(%dma_start3A_160 : memref<80xi32, #tpu.memory_space<vmem>>) semaphore(%arg13 : memref<!tpu.dma_semaphore, #tpu.memory_space<semaphore_mem>>) {add = true}
    %dma_wait3A_164 = arith.constant 124 : i32
    %dma_wait3A_165 = arith.constant 0 : i32
    %dma_wait3A_166 = tpu.memref_slice %arg7[%dma_wait3A_164, %dma_wait3A_165] : memref<125x80xi32, #tpu.memory_space<vmem>> -> memref<1x80xi32, #tpu.memory_space<vmem>>
    %dma_wait3A_167 = tpu.memref_squeeze %dma_wait3A_166 : memref<1x80xi32, #tpu.memory_space<vmem>> -> memref<80xi32, #tpu.memory_space<vmem>>
    %dma_wait3A_168 = arith.constant 0 : i32
    %dma_wait3A_169 = arith.constant 0 : i32
    %dma_wait3A_170 = tpu.memref_slice %arg10[%dma_wait3A_168, %dma_wait3A_169] : memref<10000x128xf32, #tpu.memory_space<vmem_shared>> -> memref<10000x128xf32, #tpu.memory_space<vmem_shared>>
    tpu.wait_indirect_dma semaphore(%arg13 : memref<!tpu.dma_semaphore, #tpu.memory_space<semaphore_mem>>) src(%arg8 : memref<80x128xf32, #tpu.memory_space<vmem>>) dst(%dma_wait3A_170 : memref<10000x128xf32, #tpu.memory_space<vmem_shared>>)
    %barrier3A_171 = arith.constant 0 : index
    tpu.barrier barrier_id(%barrier3A_171)
    %mul3A_172 = arith.constant 624 : i32
    %mul3A_173 = arith.muli %arg1, %mul3A_172 : i32
    %mul3A_174 = arith.constant 624 : i32
    %mul3A_175 = arith.muli %arg1, %mul3A_174 : i32
    "tpu.region"() ({
      %run_scoped3A = tpu.sem_alloc : memref<!tpu.dma_semaphore, #tpu.memory_space<semaphore_mem>>
      %dma_start3A_178 = tpu.memref_slice %arg5[%mul3A_175, %mul3A_0] : memref<10000x256xf32, #tpu.memory_space<hbm>> -> memref<624x128xf32, #tpu.memory_space<hbm>>
      %dma_start3A_179 = arith.constant 0 : i32
      %dma_start3A_180 = tpu.memref_slice %arg10[%mul3A_173, %dma_start3A_179] : memref<10000x128xf32, #tpu.memory_space<vmem_shared>> -> memref<624x128xf32, #tpu.memory_space<vmem_shared>>
      tpu.enqueue_dma source(%dma_start3A_180 : memref<624x128xf32, #tpu.memory_space<vmem_shared>>) target(%dma_start3A_178 : memref<624x128xf32, #tpu.memory_space<hbm>>) target_semaphore(%run_scoped3A : memref<!tpu.dma_semaphore, #tpu.memory_space<semaphore_mem>>)
      %dma_wait3A_181 = tpu.memref_slice %arg5[%mul3A_175, %mul3A_0] : memref<10000x256xf32, #tpu.memory_space<hbm>> -> memref<624x128xf32, #tpu.memory_space<hbm>>
      %dma_wait3A_182 = arith.constant 0 : i32
      %dma_wait3A_183 = tpu.memref_slice %arg10[%mul3A_173, %dma_wait3A_182] : memref<10000x128xf32, #tpu.memory_space<vmem_shared>> -> memref<624x128xf32, #tpu.memory_space<vmem_shared>>
      tpu.wait_dma2 semaphore(%run_scoped3A : memref<!tpu.dma_semaphore, #tpu.memory_space<semaphore_mem>>) src(%dma_wait3A_183 : memref<624x128xf32, #tpu.memory_space<vmem_shared>>) dst(%dma_wait3A_181 : memref<624x128xf32, #tpu.memory_space<hbm>>)
      tpu.yield
    }) : () -> ()
    %eq3A = arith.constant 15 : i32
    %eq3A_176 = arith.cmpi eq, %arg1, %eq3A : i32
    %convert_element_type3A = arith.extui %eq3A_176 : i1 to i32
    %cond3A = arith.constant 0 : i32
    %cond3A_177 = arith.cmpi ne, %convert_element_type3A, %cond3A : i32
    scf.if %cond3A_177 {
      "tpu.region"() ({
        %run_scoped3A = tpu.sem_alloc : memref<!tpu.dma_semaphore, #tpu.memory_space<semaphore_mem>>
        %dma_start3A_178 = arith.constant 9984 : i32
        %dma_start3A_179 = tpu.memref_slice %arg5[%dma_start3A_178, %mul3A_0] : memref<10000x256xf32, #tpu.memory_space<hbm>> -> memref<16x128xf32, #tpu.memory_space<hbm>>
        %dma_start3A_180 = arith.constant 9984 : i32
        %dma_start3A_181 = arith.constant 0 : i32
        %dma_start3A_182 = tpu.memref_slice %arg10[%dma_start3A_180, %dma_start3A_181] : memref<10000x128xf32, #tpu.memory_space<vmem_shared>> -> memref<16x128xf32, #tpu.memory_space<vmem_shared>>
        tpu.enqueue_dma source(%dma_start3A_182 : memref<16x128xf32, #tpu.memory_space<vmem_shared>>) target(%dma_start3A_179 : memref<16x128xf32, #tpu.memory_space<hbm>>) target_semaphore(%run_scoped3A : memref<!tpu.dma_semaphore, #tpu.memory_space<semaphore_mem>>)
        %dma_wait3A_183 = arith.constant 9984 : i32
        %dma_wait3A_184 = tpu.memref_slice %arg5[%dma_wait3A_183, %mul3A_0] : memref<10000x256xf32, #tpu.memory_space<hbm>> -> memref<16x128xf32, #tpu.memory_space<hbm>>
        %dma_wait3A_185 = arith.constant 9984 : i32
        %dma_wait3A_186 = arith.constant 0 : i32
        %dma_wait3A_187 = tpu.memref_slice %arg10[%dma_wait3A_185, %dma_wait3A_186] : memref<10000x128xf32, #tpu.memory_space<vmem_shared>> -> memref<16x128xf32, #tpu.memory_space<vmem_shared>>
        tpu.wait_dma2 semaphore(%run_scoped3A : memref<!tpu.dma_semaphore, #tpu.memory_space<semaphore_mem>>) src(%dma_wait3A_187 : memref<16x128xf32, #tpu.memory_space<vmem_shared>>) dst(%dma_wait3A_184 : memref<16x128xf32, #tpu.memory_space<hbm>>)
        tpu.yield
      }) : () -> ()
    } else {
    }
    return
  }
}

</mosaic_0001>

<sc_bundles>
// kernel: _message_passing.3.cloned.1.call-start
scs
__scs_entry_jumppad:
0x0: {  	(pc) =	sbr.rel $0x88, $3  }
0x1: {  	(tag) =	ssettag $0x0;
	lr =	simm.s32 $0x1  }
0x2: {  	[smem:$0x3F9E] =	sst lr;
	_ =	strace $0xD0000000  }
0x3: {  	_ = 	snop  }
0x4: {  	_ = 	snop  }
0x5: {  	_ = 	snop  }
0x6: {  	_ = 	snop  }
0x7: {  	_ = 	snop  }
__scs_overlays_trampoline_lowered:
0x8: {  	[smem:$0x3FAD] =	sst s0  }
0x9: {  	[smem:$0x3FAE] =	sst s1  }
0xa: {  	[smem:$0x3FAF] =	sst s2  }
0xb: {  	[smem:$0x3FB0] =	sst s3  }
0xc: {  	[smem:$0x3FB1] =	sst s4  }
0xd: {  	[smem:$0x3FB2] =	sst s5  }
0xe: {  	[smem:$0x3FB3] =	sst s6  }
0xf: {  	[smem:$0x3FB4] =	sst s7  }
0x10: {  	[smem:$0x3FB5] =	sst s8  }
0x11: {  	[smem:$0x3FB6] =	sst s9;
	s0 =	simm.s32 @!p0 $0x0  }
0x12: {  	s1 =	sld [smem:$0x3F9C];
	s0 =	simm.s32 @p0 $0x1  }
0x13: {  	[smem:$0x3FB7] =	sst s0;
	s0 =	simm.s32 @!p1 $0x0  }
0x14: {  	s2 =	sld [smem:$0x3F9B];
	s0 =	simm.s32 @p1 $0x1  }
0x15: {  	[smem:$0x3FB8] =	sst s0;
	s0 =	simm.s32 @!p2 $0x0  }
0x16: {  	s3 =	sld [smem:$0x3FDB];
	s0 =	simm.s32 @p2 $0x1  }
0x17: {  	s4 =	simm.s32 $0x1BF5;
	[smem:$0x3FBA] =	sst s0  }
0x18: {  	s0 =	sld [smem:$0x3F9D];
	_ =	swait.ge [sflag:s4], $0x0  }
0x19: {  	s7 =	sld [smem:$0x3F9E]  }
0x1a: {  	s8 =	sadd.s32 $0xFFFFE003, lr  }
0x1b: {  	s9 =	sadd.s32 $0xFFFFFEF7, lr;
	s5 =	simm.s32 $0xFFFFFFFF;
	p2 =	slt.u32 s8, $0xFFFFF086  }
0x1c: {  	p1 =	slt.u32 s9, $0xF7A;
	s5 =	simm.s32 @!p2 $0x0  }
0x1d: {  	s5 =	simm.s32 @p1 $0x1;
	p0 =	seq.s32 s7, s2  }
0x1e: {  	s7 =	smul.u32 @!p0 $0xF7A, s2;
	p2 =	seq.s32 @!p0 s5, $0x0  }
0x1f: {  	s9 =	smul.u32 $0xF7A, s1;
	s8 =	simm.s32 @!p0 $0x1BF5;
	p2 =	por !p2, p0  }
0x20: {  	[sflag:s8] =	ssyncset.s32 @!p0 $0xFFFFF086;
	s6 =	sadd.s32 @!p0 s3, s7;
	s7 =	simm.s32 @!p0 $0x108  }
0x21: {  	s3 =	sadd.s32 s3, s9;
	s6 =	sadd.s32 @!p0 $0x88, s6;
	s7 =	simm.s32 @p2 $0x1082  }
0x22: {  	[simem:s7], [sflag:s8] =	dma.local @!p0 [hbm:s6], $0xF7A  }
0x23: {  	s9 =	sor.u32 $0xD0000000, s2;
	s6 =	simm.s32 $0x108;
	_ =	swait.ge @!p0 [sflag:s8], $0x0  }
0x24: {  	s3 =	sadd.s32 $0x88, s3;
	s6 =	simm.s32 @!p1 $0x1082;
	[sflag:s4] =	ssyncset.s32 $0xFFFFF086  }
0x25: {  	[simem:s6], [sflag:s4] =	dma.local [hbm:s3], $0xF7A  }
0x26: {  	[smem:$0x3F9E] =	sst s1;
	(tag) =	ssettag s2;
	_ =	strace s9  }
0x27: {  	s1 =	sld [smem:$0x3FAE]  }
0x28: {  	s2 =	sld [smem:$0x3FAF]  }
0x29: {  	s4 =	sld [smem:$0x3FB1]  }
0x2a: {  	p0 =	seq.s32 s5, $0x0;
	s5 =	sld [smem:$0x3FB2]  }
0x2b: {  	s6 =	sld [smem:$0x3FB3]  }
0x2c: {  	s7 =	sld [smem:$0x3FB4]  }
0x2d: {  	s3 =	simm.s32 $0x108;
	s8 =	sld [smem:$0x3FB5]  }
0x2e: {  	s3 =	simm.s32 @!p0 $0x1082;
	s9 =	sld [smem:$0x3FB6]  }
0x2f: {  	lr =	sadd.s32 s0, s3;
	s0 =	sld [smem:$0x3FAD]  }
0x30: {  	s3 =	sld [smem:$0x3FB0]  }
0x31: {  	[smem:$0x3FB9] =	sst s10  }
0x32: {  	s10 =	sld [smem:$0x3FB7];
	_ =	sdelay $0x3  }
0x33: {  	p0 =	seq.s32 s10, $0x1;
	s10 =	sld [smem:$0x3FB9];
	_ =	sdelay $0x3  }
0x34: {  	[smem:$0x3FB9] =	sst s10  }
0x35: {  	s10 =	sld [smem:$0x3FB8];
	_ =	sdelay $0x3  }
0x36: {  	p1 =	seq.s32 s10, $0x1;
	s10 =	sld [smem:$0x3FB9];
	_ =	sdelay $0x3  }
0x37: {  	[smem:$0x3FB9] =	sst s10  }
0x38: {  	s10 =	sld [smem:$0x3FBA]  }
0x39: {  	_ = 	snop;
	(pc) =	sbr.ind lr, $3  }
0x3a: {  	_ = 	snop  }
0x3b: {  	_ = 	snop  }
0x3c: {  	p2 =	seq.s32 s10, $0x1;
	s10 =	sld [smem:$0x3FB9]  }
0x3d: {  	_ =	shalt  }
0x3e: {  	_ =	shalt  }
0x3f: {  	_ =	shalt  }
0x40: {  	_ =	shalt  }
0x41: {  	_ =	shalt  }
0x42: {  	_ =	shalt  }
0x43: {  	_ =	shalt  }
0x44: {  	_ =	shalt  }
0x45: {  	_ =	shalt  }
0x46: {  	_ =	shalt  }
0x47: {  	_ =	shalt  }
0x48: {  	_ =	shalt  }
0x49: {  	_ =	shalt  }
0x4a: {  	_ =	shalt  }
0x4b: {  	_ =	shalt  }
0x4c: {  	_ =	shalt  }
0x4d: {  	_ =	shalt  }
0x4e: {  	_ =	shalt  }
0x4f: {  	_ =	shalt  }
0x50: {  	_ =	shalt  }
0x51: {  	_ =	shalt  }
0x52: {  	_ =	shalt  }
0x53: {  	_ =	shalt  }
0x54: {  	_ =	shalt  }
0x55: {  	_ =	shalt  }
0x56: {  	_ =	shalt  }
0x57: {  	_ =	shalt  }
0x58: {  	_ =	shalt  }
0x59: {  	_ =	shalt  }
0x5a: {  	_ =	shalt  }
0x5b: {  	_ =	shalt  }
0x5c: {  	_ =	shalt  }
0x5d: {  	_ =	shalt  }
0x5e: {  	_ =	shalt  }
0x5f: {  	_ =	shalt  }
0x60: {  	_ =	shalt  }
0x61: {  	_ =	shalt  }
0x62: {  	_ =	shalt  }
0x63: {  	_ =	shalt  }
0x64: {  	_ =	shalt  }
0x65: {  	_ =	shalt  }
0x66: {  	_ =	shalt  }
0x67: {  	_ =	shalt  }
0x68: {  	_ =	shalt  }
0x69: {  	_ =	shalt  }
0x6a: {  	_ =	shalt  }
0x6b: {  	_ =	shalt  }
0x6c: {  	_ =	shalt  }
0x6d: {  	_ =	shalt  }
0x6e: {  	_ =	shalt  }
0x6f: {  	_ =	shalt  }
0x70: {  	_ =	shalt  }
0x71: {  	_ =	shalt  }
0x72: {  	_ =	shalt  }
0x73: {  	_ =	shalt  }
0x74: {  	_ =	shalt  }
0x75: {  	_ =	shalt  }
0x76: {  	_ =	shalt  }
0x77: {  	_ =	shalt  }
0x78: {  	_ =	shalt  }
0x79: {  	_ =	shalt  }
0x7a: {  	_ =	shalt  }
0x7b: {  	_ =	shalt  }
0x7c: {  	_ =	shalt  }
0x7d: {  	_ =	shalt  }
0x7e: {  	_ =	shalt  }
0x7f: {  	_ =	shalt  }
0x80: {  	_ =	shalt  }
0x81: {  	_ =	shalt  }
0x82: {  	_ =	shalt  }
0x83: {  	_ =	shalt  }
0x84: {  	_ =	shalt  }
0x85: {  	_ =	shalt  }
0x86: {  	_ =	shalt  }
0x87: {  	_ =	shalt  }
.Lfunc_end0:
.L_simem_size_0:
called_computation_lowered:
.L_overlay_start_0:
0x88: {  	s2 =	sld [smem:$0x3FD9]  }
0x89: {  	s3 =	sld [smem:$0x3FFE];
	_ =	sdelay $0x1  }
0x8a: {  	s1 =	srdreg.scid  }
0x8b: {  	s0 =	sand.u32 $0x1, s1  }
0x8c: {  	s17 =	sshll.u32 s0, $0xA;
	s2 =	sadd.s32 s3, s2  }
0x8d: {  	s2 =	sadd.s32 s2, s17  }
0x8e: {  	[smem:$0x3FC5] =	sst s2  }
0x8f: {  	_ = 	snop  }
0x90: {  	s2 =	sld [smem:$0x3FC9]  }
0x91: {  	s18 =	sld [smem:$0x3FC8]  }
0x92: {  	s4 =	sld [smem:$0x3FD0];
	(tm) =	ssettm $0x1  }
0x93: {  	s5 =	sld [smem:$0x3FFB];
	_ =	sdelay $0x3  }
0x94: {  	_ =	strace s5  }
0x95: {  	s5 =	sld [smem:$0x3FFC];
	_ =	sdelay $0x3  }
0x96: {  	_ =	strace s5  }
0x97: {  	s5 =	sld [smem:$0x3FFD];
	_ =	sdelay $0x3  }
0x98: {  	_ =	strace s5  }
0x99: {  	_ =	strace $0x8FFFFFFF  }
0x9a: {  	s19 =	sld [smem:$0x3FDB];
	_ =	sdelay $0x1  }
0x9b: {  	s6 =	simm.s32 $_scs_section_size  }
0x9c: {  	s7 =	simm.s32 $_size__tile_overlayer_lowered;
	s8 =	simm.s32 $_tile_overlayer_lowered  }
0x9d: {  	s22 =	simm.s32 $0x1BFF;
	s21 =	sshll.u32 s8, $0x1;
	s5 =	sadd.s32 s6, s19  }
0x9e: {  	s9 =	simm.s32 $0x0;
	s20 =	sshll.u32 s7, $0x1;
	s7 =	sadd.s32 s21, s5  }
0x9f: {  	[timem:s9], [sflag:s22] =	dma.local [hbm:s7], s20  }
0xa0: {  	_ =	swait.ge [sflag:s22], s20  }
0xa1: {  	s6 =	ssub.s32 $0x0, s20;
	[sflag:s22] =	ssyncset.done $0x0  }
0xa2: {  	[sflag:s22] =	ssyncadd.s32 s6;
	_ =	sdelay $0x1  }
0xa3: {  	s23 =	simm.s32 $0x1B8B  }
0xa4: {  	_ =	swait.ge [sflag:s23], $0x1  }
0xa5: {  	[sflag:s23] =	ssyncset.done $0x0  }
0xa6: {  	s25 =	simm.s32 $0x1B8E;
	s24 =	sld [smem:$0x3FFE];
	[sflag:s23] =	ssyncadd.s32 $0xFFFFFFFF  }
0xa7: {  	s26 =	simm.s32 $execute0_lowered;
	[smem:$0x3FD2] =	sst s25  }
0xa8: {  	s7 =	sshll.u32 s26, $0x1;
	_ =	strace $0x80000046;
	[dreg:$0x1] =	wrdreg $0xFFFFFFFF  }
0xa9: {  	s28 =	simm.s32 $_size_execute0_lowered;
	s5 =	sadd.s32 s5, s7;
	[dreg:$0x0] =	wrdreg $0x0  }
0xaa: {  	s7 =	sshll.u32 s28, $0x1;
	[dreg:$0x2] =	wrdreg s5  }
0xab: {  	[dreg:$0x3] =	wrdreg s7  }
0xac: {  	[dreg:$0x4] =	wrdreg $0xC0  }
0xad: {  	_ =	task [dreg:s9], $0x5FFFF  }
0xae: {  	[dreg:$0x1] =	wrdreg $0xFFFFFFFF  }
0xaf: {  	[dreg:$0x0] =	wrdreg $0x60  }
0xb0: {  	[dreg:$0x2] =	wrdreg s2  }
0xb1: {  	[dreg:$0x3] =	wrdreg s18  }
0xb2: {  	[dreg:$0x4] =	wrdreg s24  }
0xb3: {  	[dreg:$0x5] =	wrdreg s4  }
0xb4: {  	[dreg:$0x6] =	wrdreg $0xB7800  }
0xb5: {  	[dreg:$0x7] =	wrdreg $0x9  }
0xb6: {  	_ =	task.clear_ibuf [dreg:s9], $0x8FFFF;
	_ =	strace $0x90000046  }
0xb7: {  	s29 =	simm.s32 $0x9;
	_ =	strace $0x80000048  }
0xb8: {  	_ =	swait.ge [sflag:s29], $0x1  }
0xb9: {  	[sflag:s29] =	ssyncadd.s32 $0xFFFFFFFF  }
0xba: {  	_ =	strace $0x90000048  }
0xbb: {  	_ =	sfence  }
0xbc: {  	s30 =	sld [smem:$0x0];
	_ =	sdelay $0x2  }
0xbd: {  	s31 =	sshll.u32 s1, $0xD;
	s1 =	sshrl.u32 s1, $0x2  }
0xbe: {  	s3 =	sand.u32 $0x4000, s31;
	s1 =	sadd.s32 s1, s30  }
0xbf: {  	s0 =	sor.u32 s3, s0;
	s1 =	sshll.u32 s1, $0x11  }
0xc0: {  	s0 =	sor.u32 s1, s0  }
0xc1: {  	s0 =	sadd.s32 $0x8F2B, s0  }
0xc2: {  	[sflag:s0] =	ssyncadd.remote.s32 $0x1  }
0xc3: {  	_ =	sfence.sel $0xFFFF  }
0xc4: {  	[dreg:$0x0] =	wrdreg $0xFFFFFFFF;
	(pc) =	sbr.abs _section_cstart, $3  }
0xc5: {  	[dreg:$0x1] =	wrdreg $0xFFFFFFFF  }
0xc6: {  	_ =	task.clear_ibuf [dreg:s9], $0x2FFFF;
	_ =	strace $0x9FFFFFFF  }
0xc7: {  	(tm) =	ssettm $0x7FFFFFFF  }
tec
execute0_lowered:
.L_overlay_start_1:
0x0: {  	(tag) =	ssettag $0x1  }
0x1: {  	s0 =	rddreg [dreg:$0x0]  }
0x2: {  	s1 =	rddreg [dreg:$0x1]  }
0x3: {  	s4 =	rddreg [dreg:$0x2]  }
0x4: {  	s5 =	rddreg [dreg:$0x3]  }
0x5: {  	s2 =	rddreg [dreg:$0x4];
	s3 =	simm.s32 $0x0  }
0x6: {  	s13 =	stileid.u32;
	s7 =	srdreg.scid;
	s31 =	simm.s32 $0x5  }
0x7: {  	s28 =	simm.s32 $0x6F80;
	s29 =	simm.s32 $0x7380;
	s30 =	simm.s32 $0x3  }
0x8: {  	[smem:$0x7FF] =	sst s3;
	s6 =	sshrl.u32 s13, $0x3;
	s11 =	smul.u32 $0x4E200, s13  }
0x9: {  	s8 =	sshll.u32 s13, $0x7;
	s7 =	sand.u32 $0x1, s7;
	s18 =	smul.u32 $0x27000, s13  }
0xa: {  	s9 =	sshll.u32 s13, $0xB;
	s20 =	smul.u32 $0x4E000, s13;
	p0 =	sne.s32 s13, $0xF  }
0xb: {  	s13 =	simm.s32 $0x2;
	s6 =	smul.u32 $0x13C00, s6;
	_ =	strace $0x80000047  }
0xc: {  	s8 =	sand.u32 $0x380, s8;
	s10 =	ssub.s32 $0x2, s7;
	s4 =	sadd.s32 s9, s4  }
0xd: {  	s12 =	sshll.u32 s7, $0x7;
	s7 =	sshll.u32 s7, $0xA;
	s9 =	simm.s32 $0x7300  }
0xe: {  	s26 =	sshrl.u32 s10, $0x1;
	s14 =	sshrl.u32 s11, $0x2;
	s24 =	sadd.s32 s12, s5  }
0xf: {  	s6 =	sor.u32 s8, s6;
	s8 =	ssub.s32 s10, s26;
	s10 =	sadd.s32 $0x400, s4  }
0x10: {  	s11 =	simm.s32 $0x7100;
	s15 =	sadd.s32 s14, s2;
	[dreg:$0x7] =	wrdreg s10  }
0x11: {  	s6 =	sshrl.u32 s6, $0x3;
	s16 =	sadd.s32 $0x2800, s15;
	[dreg:$0x8] =	wrdreg s15  }
0x12: {  	s17 =	sadd.s32 $0x5000, s15;
	s4 =	sadd.s32 $0x7800, s15;
	[dreg:$0x9] =	wrdreg s16  }
0x13: {  	s19 =	sadd.s32 $0xA000, s15;
	s21 =	sadd.s32 $0xC800, s15;
	[dreg:$0xa] =	wrdreg s17  }
0x14: {  	s22 =	sadd.s32 $0xF000, s15;
	s23 =	sadd.s32 $0x11800, s15;
	[dreg:$0xb] =	wrdreg s4  }
0x15: {  	s25 =	smax.u32 s8, $0x1;
	s15 =	simm.s32 $0x2780;
	[dreg:$0xc] =	wrdreg s19  }
0x16: {  	s10 =	simm.s32 $0x7200;
	s8 =	simm.s32 $0x7400;
	[dreg:$0xd] =	wrdreg s21  }
0x17: {  	s1 =	sadd.s32 s1, s6;
	s6 =	sadd.s32 s0, s12;
	[dreg:$0xe] =	wrdreg s22  }
0x18: {  	s0 =	sor.u32 s7, s18;
	[dreg:$0xf] =	wrdreg s23;
	s4 =	sshrl.u32 s20, $0x2  }
0x19: {  	[dreg:$0x12] =	wrdreg s25;
	s17 =	simm.s32 $0x80;
	s12 =	simm.s32 $0x6780  }
0x1a: {  	s18 =	simm.s32 $0x7000;
	s16 =	simm.s32 $0x7080;
	s23 =	simm.s32 $0x7180  }
0x1b: {  	s19 =	simm.s32 $0x7280;
	s21 =	simm.s32 $0x7500;
	s25 =	simm.s32 $0x7580  }
0x1c: {  	v0 =	vimm.s32 $0x7;
	v3 =	vlaneseq.u32;
	s7 =	simm.s32 $0x7780;
	s22 =	simm.s32 $0x7800;
	s20 =	simm.s32 $0x4  }
0x1d: {  	v1 =	vimm.s32 $0x1;
	v2 =	vimm.s32 $0x0;
	vm0 =	vmmov $0x1;
	[dreg:$0x6] =	wrdreg s1;
	s0 =	sshrl.u32 s0, $0x3;
	s4 =	sadd.s32 s4, s2  }
0x1e: {  	v4 =	vimm.s32 $0x2;
	v5 =	vimm.s32 $0x3;
	v6 =	vimm.s32 $0x4;
	s1 =	sadd.s32 $0x138000, s2;
	s2 =	simm.s32 $0x7700;
	s0 =	sadd.s32 s5, s0  }
0x1f: {  	v7 =	vimm.s32 $0x5;
	v8 =	vimm.s32 $0x6;
	v9 =	vimm.s32 $0x8;
	s26 =	sshrl.u32 s4, $0x3;
	s5 =	simm.s32 $0x0;
	[dreg:$0x10] =	wrdreg s0  }
0x20: {  	v10 =	vimm.s32 $0x9;
	v11 =	vimm.s32 $0xA;
	v12 =	vimm.s32 $0xB;
	s0 =	sadd.s32 $0x4E000, s24;
	[dreg:$0x13] =	wrdreg s26;
	s26 =	simm.s32 $0x7600  }
0x21: {  	v13 =	vimm.s32 $0xC;
	v14 =	vimm.s32 $0xD;
	v15 =	vimm.s32 $0xE;
	s24 =	simm.s32 $0x7680;
	[dreg:$0x11] =	wrdreg s0;
	s0 =	sshrl.u32 @!p0 s1, $0x3  }
0x22: {  	v16 =	vimm.s32 $0xF;
	v17 =	vimm.f32 $0.0e+00;
	v3 =	vmul.u32 $0x8, v3;
	s1 =	simm.s32 $0x1;
	[dreg:$0x14] =	wrdreg s0;
	s0 =	simm.s32 $0x7480  }
.LBB2_1:
0x23: {  	[dreg:$0x15] =	wrdreg s5  }
0x24: {  	s14 =	rddreg [dreg:$0x6];
	s4 =	simm.s32 $0x400  }
0x25: {  	[tilespmem:s3], [sflag:$0x5] =	stream.strided.gather [hbm4b:s14+s17], $0x2780, s4, s17, $0x38;
	[tilespmem:$0x1F000] =	vst v63  }
0x26: {  	_ =	swait.ge [sflag:s31], $0x2780  }
0x27: {  	[sflag:s31] =	ssyncset.done $0x0  }
0x28: {  	s17 =	rddreg [dreg:$0x7];
	[sflag:s31] =	ssyncadd.s32 $0xFFFFD880  }
0x29: {  	[tilespmem:s15], [sflag:$0x5] =	stream.linear.gather [hbm4b:s17+s3], $0x3E80, $0x38;
	[tilespmem:$0x1F000] =	vst v63  }
0x2a: {  	_ =	swait.ge [sflag:s31], $0x3E80  }
0x2b: {  	[sflag:s31] =	ssyncset.done $0x0  }
0x2c: {  	[sflag:s31] =	ssyncadd.s32 $0xFFFFC180  }
0x2d: {  	v18 =	vld [tilespmem:$0x0];
	_ =	sdelay $0x4  }
0x2e: {  	v19 =	vshll.u32 v18, $0x1  }
0x2f: {  	v18 =	vand.u32 $0x7, v18;
	v19 =	vand.u32 $0xFFFFFFF0, v19  }
0x30: {  	v18 =	vor.u32 v18, v19  }
0x31: {  	v19 =	vperm.xlane v18, v2;
	_ =	sdelay $0x1  }
0x32: {  	v20 =	vperm.xlane v18, v1;
	v19 =	vadd.s32 v3, v19;
	_ =	sdelay $0x1  }
0x33: {  	v21 =	vperm.xlane v18, v4;
	v20 =	vadd.s32 v3, v20;
	_ =	sdelay $0x1  }
0x34: {  	v22 =	vperm.xlane v18, v5;
	v21 =	vadd.s32 v3, v21  }
0x35: {  	[tilespmem:s12], [sflag:$0x1] =	stream.indirect_vreg.gather [hbm4b:s6+s3], $0x80, v19, vm0, $0xb8;
	[tilespmem:$0x1F000] =	vst v63  }
0x36: {  	s31 =	simm.s32 $0x6800;
	v37 =	vperm.xlane v18, v6;
	v19 =	vadd.s32 v3, v22  }
0x37: {  	[tilespmem:s31], [sflag:$0x1] =	stream.indirect_vreg.gather [hbm4b:s6+s3], $0x80, v20, vm0, $0xb8;
	[tilespmem:$0x1F000] =	vst v63  }
0x38: {  	s5 =	simm.s32 $0x6880;
	v39 =	vperm.xlane v18, v7;
	v38 =	vadd.s32 v3, v37  }
0x39: {  	[tilespmem:s5], [sflag:$0x1] =	stream.indirect_vreg.gather [hbm4b:s6+s3], $0x80, v21, vm0, $0xb8;
	[tilespmem:$0x1F000] =	vst v63  }
0x3a: {  	v41 =	vperm.xlane v18, v8;
	v40 =	vadd.s32 v3, v39;
	s12 =	simm.s32 $0x6900  }
0x3b: {  	[tilespmem:s12], [sflag:$0x1] =	stream.indirect_vreg.gather [hbm4b:s6+s3], $0x80, v19, vm0, $0xb8;
	[tilespmem:$0x1F000] =	vst v63  }
0x3c: {  	s14 =	simm.s32 $0x6980;
	v42 =	vperm.xlane v18, v0;
	v19 =	vadd.s32 v3, v41  }
0x3d: {  	[tilespmem:s14], [sflag:$0x1] =	stream.indirect_vreg.gather [hbm4b:s6+s3], $0x80, v38, vm0, $0xb8;
	[tilespmem:$0x1F000] =	vst v63  }
0x3e: {  	s17 =	simm.s32 $0x6A00;
	v44 =	vperm.xlane v18, v9;
	v43 =	vadd.s32 v3, v42  }
0x3f: {  	[tilespmem:s17], [sflag:$0x1] =	stream.indirect_vreg.gather [hbm4b:s6+s3], $0x80, v40, vm0, $0xb8;
	[tilespmem:$0x1F000] =	vst v63  }
0x40: {  	v46 =	vperm.xlane v18, v10;
	v45 =	vadd.s32 v3, v44;
	s31 =	simm.s32 $0x6A80  }
0x41: {  	[tilespmem:s31], [sflag:$0x1] =	stream.indirect_vreg.gather [hbm4b:s6+s3], $0x80, v19, vm0, $0xb8;
	[tilespmem:$0x1F000] =	vst v63  }
0x42: {  	v47 =	vperm.xlane v18, v11;
	s5 =	simm.s32 $0x6B00;
	v19 =	vadd.s32 v3, v46  }
0x43: {  	[tilespmem:s5], [sflag:$0x1] =	stream.indirect_vreg.gather [hbm4b:s6+s3], $0x80, v43, vm0, $0xb8;
	[tilespmem:$0x1F000] =	vst v63  }
0x44: {  	v49 =	vperm.xlane v18, v12;
	v48 =	vadd.s32 v3, v47;
	s12 =	simm.s32 $0x6B80  }
0x45: {  	[tilespmem:s12], [sflag:$0x1] =	stream.indirect_vreg.gather [hbm4b:s6+s3], $0x80, v45, vm0, $0xb8;
	[tilespmem:$0x1F000] =	vst v63  }
0x46: {  	v51 =	vperm.xlane v18, v13;
	v50 =	vadd.s32 v3, v49;
	s14 =	simm.s32 $0x6C00  }
0x47: {  	[tilespmem:s14], [sflag:$0x1] =	stream.indirect_vreg.gather [hbm4b:s6+s3], $0x80, v19, vm0, $0xb8;
	[tilespmem:$0x1F000] =	vst v63  }
0x48: {  	v52 =	vperm.xlane v18, v14;
	s17 =	simm.s32 $0x6C80;
	v19 =	vadd.s32 v3, v51  }
0x49: {  	[tilespmem:s17], [sflag:$0x1] =	stream.indirect_vreg.gather [hbm4b:s6+s3], $0x80, v48, vm0, $0xb8;
	[tilespmem:$0x1F000] =	vst v63  }
0x4a: {  	v54 =	vperm.xlane v18, v15;
	v53 =	vadd.s32 v3, v52;
	s31 =	simm.s32 $0x6D00  }
0x4b: {  	[tilespmem:s31], [sflag:$0x1] =	stream.indirect_vreg.gather [hbm4b:s6+s3], $0x80, v50, vm0, $0xb8;
	[tilespmem:$0x1F000] =	vst v63  }
0x4c: {  	v18 =	vperm.xlane v18, v16;
	v55 =	vadd.s32 v3, v54;
	s5 =	simm.s32 $0x6D80  }
0x4d: {  	[tilespmem:s5], [sflag:$0x1] =	stream.indirect_vreg.gather [hbm4b:s6+s3], $0x80, v19, vm0, $0xb8;
	[tilespmem:$0x1F000] =	vst v63  }
0x4e: {  	v18 =	vadd.s32 v3, v18;
	s12 =	simm.s32 $0x6E00  }
0x4f: {  	[tilespmem:s12], [sflag:$0x1] =	stream.indirect_vreg.gather [hbm4b:s6+s3], $0x80, v53, vm0, $0xb8;
	[tilespmem:$0x1F000] =	vst v63  }
0x50: {  	s14 =	simm.s32 $0x6E80  }
0x51: {  	[tilespmem:s14], [sflag:$0x1] =	stream.indirect_vreg.gather [hbm4b:s6+s3], $0x80, v55, vm0, $0xb8;
	[tilespmem:$0x1F000] =	vst v63  }
0x52: {  	s17 =	simm.s32 $0x6F00  }
0x53: {  	[tilespmem:s17], [sflag:$0x1] =	stream.indirect_vreg.gather [hbm4b:s6+s3], $0x80, v18, vm0, $0xb8;
	[tilespmem:$0x1F000] =	vst v63  }
0x54: {  	v18 =	vld [tilespmem:$0x10];
	_ =	sdelay $0x4  }
0x55: {  	v19 =	vshll.u32 v18, $0x1  }
0x56: {  	v18 =	vand.u32 $0x7, v18;
	v19 =	vand.u32 $0xFFFFFFF0, v19  }
0x57: {  	v18 =	vor.u32 v18, v19  }
0x58: {  	v19 =	vperm.xlane v18, v2;
	_ =	sdelay $0x1  }
0x59: {  	v56 =	vperm.xlane v18, v1;
	v19 =	vadd.s32 v3, v19;
	_ =	sdelay $0x1  }
0x5a: {  	v57 =	vperm.xlane v18, v4;
	v20 =	vadd.s32 v3, v56;
	_ =	sdelay $0x1  }
0x5b: {  	v58 =	vperm.xlane v18, v5;
	v21 =	vadd.s32 v3, v57  }
0x5c: {  	[tilespmem:s28], [sflag:$0x1] =	stream.indirect_vreg.gather [hbm4b:s6+s3], $0x80, v19, vm0, $0xb8;
	[tilespmem:$0x1F000] =	vst v63  }
0x5d: {  	v59 =	vperm.xlane v18, v6;
	v19 =	vadd.s32 v3, v58  }
0x5e: {  	[tilespmem:s18], [sflag:$0x1] =	stream.indirect_vreg.gather [hbm4b:s6+s3], $0x80, v20, vm0, $0xb8;
	[tilespmem:$0x1F000] =	vst v63  }
0x5f: {  	v61 =	vperm.xlane v18, v7;
	v60 =	vadd.s32 v3, v59  }
0x60: {  	[tilespmem:s16], [sflag:$0x1] =	stream.indirect_vreg.gather [hbm4b:s6+s3], $0x80, v21, vm0, $0xb8;
	[tilespmem:$0x1F000] =	vst v63  }
0x61: {  	v63 =	vperm.xlane v18, v8;
	v62 =	vadd.s32 v3, v61  }
0x62: {  	[tilespmem:s11], [sflag:$0x1] =	stream.indirect_vreg.gather [hbm4b:s6+s3], $0x80, v19, vm0, $0xb8;
	[tilespmem:$0x1F000] =	vst v63  }
0x63: {  	v24 =	vperm.xlane v18, v0;
	v19 =	vadd.s32 v3, v63  }
0x64: {  	[tilespmem:s23], [sflag:$0x1] =	stream.indirect_vreg.gather [hbm4b:s6+s3], $0x80, v60, vm0, $0xb8;
	[tilespmem:$0x1F000] =	vst v63  }
0x65: {  	v26 =	vperm.xlane v18, v9;
	v25 =	vadd.s32 v3, v24  }
0x66: {  	[tilespmem:s10], [sflag:$0x1] =	stream.indirect_vreg.gather [hbm4b:s6+s3], $0x80, v62, vm0, $0xb8;
	[tilespmem:$0x1F000] =	vst v63  }
0x67: {  	v28 =	vperm.xlane v18, v10;
	v27 =	vadd.s32 v3, v26  }
0x68: {  	[tilespmem:s19], [sflag:$0x1] =	stream.indirect_vreg.gather [hbm4b:s6+s3], $0x80, v19, vm0, $0xb8;
	[tilespmem:$0x1F000] =	vst v63  }
0x69: {  	v29 =	vperm.xlane v18, v11;
	v19 =	vadd.s32 v3, v28  }
0x6a: {  	[tilespmem:s9], [sflag:$0x1] =	stream.indirect_vreg.gather [hbm4b:s6+s3], $0x80, v25, vm0, $0xb8;
	[tilespmem:$0x1F000] =	vst v63  }
0x6b: {  	v31 =	vperm.xlane v18, v12;
	v30 =	vadd.s32 v3, v29  }
0x6c: {  	[tilespmem:s29], [sflag:$0x1] =	stream.indirect_vreg.gather [hbm4b:s6+s3], $0x80, v27, vm0, $0xb8;
	[tilespmem:$0x1F000] =	vst v63  }
0x6d: {  	v33 =	vperm.xlane v18, v13;
	v32 =	vadd.s32 v3, v31  }
0x6e: {  	[tilespmem:s8], [sflag:$0x1] =	stream.indirect_vreg.gather [hbm4b:s6+s3], $0x80, v19, vm0, $0xb8;
	[tilespmem:$0x1F000] =	vst v63  }
0x6f: {  	v34 =	vperm.xlane v18, v14;
	v19 =	vadd.s32 v3, v33  }
0x70: {  	[tilespmem:s0], [sflag:$0x1] =	stream.indirect_vreg.gather [hbm4b:s6+s3], $0x80, v30, vm0, $0xb8;
	[tilespmem:$0x1F000] =	vst v63  }
0x71: {  	v36 =	vperm.xlane v18, v15;
	v35 =	vadd.s32 v3, v34  }
0x72: {  	[tilespmem:s21], [sflag:$0x1] =	stream.indirect_vreg.gather [hbm4b:s6+s3], $0x80, v32, vm0, $0xb8;
	[tilespmem:$0x1F000] =	vst v63  }
0x73: {  	v18 =	vperm.xlane v18, v16;
	v37 =	vadd.s32 v3, v36  }
0x74: {  	[tilespmem:s25], [sflag:$0x1] =	stream.indirect_vreg.gather [hbm4b:s6+s3], $0x80, v19, vm0, $0xb8;
	[tilespmem:$0x1F000] =	vst v63  }
0x75: {  	v18 =	vadd.s32 v3, v18  }
0x76: {  	[tilespmem:s26], [sflag:$0x1] =	stream.indirect_vreg.gather [hbm4b:s6+s3], $0x80, v35, vm0, $0xb8;
	[tilespmem:$0x1F000] =	vst v63  }
0x77: {  	_ = 	snop  }
0x78: {  	[tilespmem:s24], [sflag:$0x1] =	stream.indirect_vreg.gather [hbm4b:s6+s3], $0x80, v37, vm0, $0xb8;
	[tilespmem:$0x1F000] =	vst v63  }
0x79: {  	_ = 	snop  }
0x7a: {  	[tilespmem:s2], [sflag:$0x1] =	stream.indirect_vreg.gather [hbm4b:s6+s3], $0x80, v18, vm0, $0xb8;
	[tilespmem:$0x1F000] =	vst v63  }
0x7b: {  	v18 =	vld [tilespmem:$0x20];
	_ =	sdelay $0x4  }
0x7c: {  	v19 =	vshll.u32 v18, $0x1  }
0x7d: {  	v18 =	vand.u32 $0x7, v18;
	v19 =	vand.u32 $0xFFFFFFF0, v19  }
0x7e: {  	v18 =	vor.u32 v18, v19  }
0x7f: {  	v19 =	vperm.xlane v18, v2;
	_ =	sdelay $0x1  }
0x80: {  	v38 =	vperm.xlane v18, v1;
	v19 =	vadd.s32 v3, v19;
	_ =	sdelay $0x1  }
0x81: {  	v39 =	vperm.xlane v18, v4;
	v20 =	vadd.s32 v3, v38;
	_ =	sdelay $0x1  }
0x82: {  	v40 =	vperm.xlane v18, v5;
	v21 =	vadd.s32 v3, v39  }
0x83: {  	[tilespmem:s7], [sflag:$0x1] =	stream.indirect_vreg.gather [hbm4b:s6+s3], $0x80, v19, vm0, $0xb8;
	[tilespmem:$0x1F000] =	vst v63  }
0x84: {  	v41 =	vperm.xlane v18, v6;
	v19 =	vadd.s32 v3, v40  }
0x85: {  	[tilespmem:s22], [sflag:$0x1] =	stream.indirect_vreg.gather [hbm4b:s6+s3], $0x80, v20, vm0, $0xb8;
	[tilespmem:$0x1F000] =	vst v63  }
0x86: {  	s29 =	simm.s32 $0x7880;
	v43 =	vperm.xlane v18, v7;
	v42 =	vadd.s32 v3, v41  }
0x87: {  	[tilespmem:s29], [sflag:$0x1] =	stream.indirect_vreg.gather [hbm4b:s6+s3], $0x80, v21, vm0, $0xb8;
	[tilespmem:$0x1F000] =	vst v63  }
0x88: {  	s31 =	simm.s32 $0x7900;
	v45 =	vperm.xlane v18, v8;
	v44 =	vadd.s32 v3, v43  }
0x89: {  	[tilespmem:s31], [sflag:$0x1] =	stream.indirect_vreg.gather [hbm4b:s6+s3], $0x80, v19, vm0, $0xb8;
	[tilespmem:$0x1F000] =	vst v63  }
0x8a: {  	s2 =	simm.s32 $0x7980;
	v46 =	vperm.xlane v18, v0;
	v19 =	vadd.s32 v3, v45  }
0x8b: {  	[tilespmem:s2], [sflag:$0x1] =	stream.indirect_vreg.gather [hbm4b:s6+s3], $0x80, v42, vm0, $0xb8;
	[tilespmem:$0x1F000] =	vst v63  }
0x8c: {  	s4 =	simm.s32 $0x7A00;
	v48 =	vperm.xlane v18, v9;
	v47 =	vadd.s32 v3, v46  }
0x8d: {  	[tilespmem:s4], [sflag:$0x1] =	stream.indirect_vreg.gather [hbm4b:s6+s3], $0x80, v44, vm0, $0xb8;
	[tilespmem:$0x1F000] =	vst v63  }
0x8e: {  	s5 =	simm.s32 $0x7A80;
	v50 =	vperm.xlane v18, v10;
	v49 =	vadd.s32 v3, v48  }
0x8f: {  	[tilespmem:s5], [sflag:$0x1] =	stream.indirect_vreg.gather [hbm4b:s6+s3], $0x80, v19, vm0, $0xb8;
	[tilespmem:$0x1F000] =	vst v63  }
0x90: {  	v51 =	vperm.xlane v18, v11;
	s7 =	simm.s32 $0x7B00;
	v19 =	vadd.s32 v3, v50  }
0x91: {  	[tilespmem:s7], [sflag:$0x1] =	stream.indirect_vreg.gather [hbm4b:s6+s3], $0x80, v47, vm0, $0xb8;
	[tilespmem:$0x1F000] =	vst v63  }
0x92: {  	s8 =	simm.s32 $0x7B80;
	v53 =	vperm.xlane v18, v12;
	v52 =	vadd.s32 v3, v51  }
0x93: {  	[tilespmem:s8], [sflag:$0x1] =	stream.indirect_vreg.gather [hbm4b:s6+s3], $0x80, v49, vm0, $0xb8;
	[tilespmem:$0x1F000] =	vst v63  }
0x94: {  	s9 =	simm.s32 $0x7C00;
	v55 =	vperm.xlane v18, v13;
	v54 =	vadd.s32 v3, v53  }
0x95: {  	[tilespmem:s9], [sflag:$0x1] =	stream.indirect_vreg.gather [hbm4b:s6+s3], $0x80, v19, vm0, $0xb8;
	[tilespmem:$0x1F000] =	vst v63  }
0x96: {  	s10 =	simm.s32 $0x7C80;
	v56 =	vperm.xlane v18, v14;
	v19 =	vadd.s32 v3, v55  }
0x97: {  	[tilespmem:s10], [sflag:$0x1] =	stream.indirect_vreg.gather [hbm4b:s6+s3], $0x80, v52, vm0, $0xb8;
	[tilespmem:$0x1F000] =	vst v63  }
0x98: {  	s11 =	simm.s32 $0x7D00;
	v58 =	vperm.xlane v18, v15;
	v57 =	vadd.s32 v3, v56  }
0x99: {  	[tilespmem:s11], [sflag:$0x1] =	stream.indirect_vreg.gather [hbm4b:s6+s3], $0x80, v54, vm0, $0xb8;
	[tilespmem:$0x1F000] =	vst v63  }
0x9a: {  	s12 =	simm.s32 $0x7D80;
	v18 =	vperm.xlane v18, v16;
	v59 =	vadd.s32 v3, v58  }
0x9b: {  	[tilespmem:s12], [sflag:$0x1] =	stream.indirect_vreg.gather [hbm4b:s6+s3], $0x80, v19, vm0, $0xb8;
	[tilespmem:$0x1F000] =	vst v63  }
0x9c: {  	s14 =	simm.s32 $0x7E00;
	v18 =	vadd.s32 v3, v18  }
0x9d: {  	[tilespmem:s14], [sflag:$0x1] =	stream.indirect_vreg.gather [hbm4b:s6+s3], $0x80, v57, vm0, $0xb8;
	[tilespmem:$0x1F000] =	vst v63  }
0x9e: {  	s16 =	simm.s32 $0x7E80  }
0x9f: {  	[tilespmem:s16], [sflag:$0x1] =	stream.indirect_vreg.gather [hbm4b:s6+s3], $0x80, v59, vm0, $0xb8;
	[tilespmem:$0x1F000] =	vst v63  }
0xa0: {  	s17 =	simm.s32 $0x7F00  }
0xa1: {  	[tilespmem:s17], [sflag:$0x1] =	stream.indirect_vreg.gather [hbm4b:s6+s3], $0x80, v18, vm0, $0xb8;
	[tilespmem:$0x1F000] =	vst v63  }
0xa2: {  	v18 =	vld [tilespmem:$0x30];
	_ =	sdelay $0x4  }
0xa3: {  	v19 =	vshll.u32 v18, $0x1  }
0xa4: {  	v18 =	vand.u32 $0x7, v18;
	v19 =	vand.u32 $0xFFFFFFF0, v19  }
0xa5: {  	v18 =	vor.u32 v18, v19  }
0xa6: {  	v19 =	vperm.xlane v18, v2;
	_ =	sdelay $0x1  }
0xa7: {  	v60 =	vperm.xlane v18, v1;
	v19 =	vadd.s32 v3, v19;
	_ =	sdelay $0x1  }
0xa8: {  	v61 =	vperm.xlane v18, v4;
	v20 =	vadd.s32 v3, v60;
	_ =	sdelay $0x1  }
0xa9: {  	s18 =	simm.s32 $0x7F80;
	v62 =	vperm.xlane v18, v5;
	v21 =	vadd.s32 v3, v61  }
0xaa: {  	[tilespmem:s18], [sflag:$0x1] =	stream.indirect_vreg.gather [hbm4b:s6+s3], $0x80, v19, vm0, $0xb8;
	[tilespmem:$0x1F000] =	vst v63  }
0xab: {  	s19 =	simm.s32 $0x8000;
	v63 =	vperm.xlane v18, v6;
	v19 =	vadd.s32 v3, v62  }
0xac: {  	[tilespmem:s19], [sflag:$0x1] =	stream.indirect_vreg.gather [hbm4b:s6+s3], $0x80, v20, vm0, $0xb8;
	[tilespmem:$0x1F000] =	vst v63  }
0xad: {  	s21 =	simm.s32 $0x8080;
	v25 =	vperm.xlane v18, v7;
	v24 =	vadd.s32 v3, v63  }
0xae: {  	[tilespmem:s21], [sflag:$0x1] =	stream.indirect_vreg.gather [hbm4b:s6+s3], $0x80, v21, vm0, $0xb8;
	[tilespmem:$0x1F000] =	vst v63  }
0xaf: {  	s22 =	simm.s32 $0x8100;
	v27 =	vperm.xlane v18, v8;
	v26 =	vadd.s32 v3, v25  }
0xb0: {  	[tilespmem:s22], [sflag:$0x1] =	stream.indirect_vreg.gather [hbm4b:s6+s3], $0x80, v19, vm0, $0xb8;
	[tilespmem:$0x1F000] =	vst v63  }
0xb1: {  	s23 =	simm.s32 $0x8180;
	v28 =	vperm.xlane v18, v0;
	v19 =	vadd.s32 v3, v27  }
0xb2: {  	[tilespmem:s23], [sflag:$0x1] =	stream.indirect_vreg.gather [hbm4b:s6+s3], $0x80, v24, vm0, $0xb8;
	[tilespmem:$0x1F000] =	vst v63  }
0xb3: {  	s24 =	simm.s32 $0x8200;
	v30 =	vperm.xlane v18, v9;
	v29 =	vadd.s32 v3, v28  }
0xb4: {  	[tilespmem:s24], [sflag:$0x1] =	stream.indirect_vreg.gather [hbm4b:s6+s3], $0x80, v26, vm0, $0xb8;
	[tilespmem:$0x1F000] =	vst v63  }
0xb5: {  	s25 =	simm.s32 $0x8280;
	v32 =	vperm.xlane v18, v10;
	v31 =	vadd.s32 v3, v30  }
0xb6: {  	[tilespmem:s25], [sflag:$0x1] =	stream.indirect_vreg.gather [hbm4b:s6+s3], $0x80, v19, vm0, $0xb8;
	[tilespmem:$0x1F000] =	vst v63  }
0xb7: {  	s26 =	simm.s32 $0x8300;
	v33 =	vperm.xlane v18, v11;
	v19 =	vadd.s32 v3, v32  }
0xb8: {  	[tilespmem:s26], [sflag:$0x1] =	stream.indirect_vreg.gather [hbm4b:s6+s3], $0x80, v29, vm0, $0xb8;
	[tilespmem:$0x1F000] =	vst v63  }
0xb9: {  	s29 =	simm.s32 $0x8380;
	v35 =	vperm.xlane v18, v12;
	v34 =	vadd.s32 v3, v33  }
0xba: {  	[tilespmem:s29], [sflag:$0x1] =	stream.indirect_vreg.gather [hbm4b:s6+s3], $0x80, v31, vm0, $0xb8;
	[tilespmem:$0x1F000] =	vst v63  }
0xbb: {  	s31 =	simm.s32 $0x8400;
	v37 =	vperm.xlane v18, v13;
	v36 =	vadd.s32 v3, v35  }
0xbc: {  	[tilespmem:s31], [sflag:$0x1] =	stream.indirect_vreg.gather [hbm4b:s6+s3], $0x80, v19, vm0, $0xb8;
	[tilespmem:$0x1F000] =	vst v63  }
0xbd: {  	s2 =	simm.s32 $0x8480;
	v38 =	vperm.xlane v18, v14;
	v19 =	vadd.s32 v3, v37  }
0xbe: {  	[tilespmem:s2], [sflag:$0x1] =	stream.indirect_vreg.gather [hbm4b:s6+s3], $0x80, v34, vm0, $0xb8;
	[tilespmem:$0x1F000] =	vst v63  }
0xbf: {  	s4 =	simm.s32 $0x8500;
	v40 =	vperm.xlane v18, v15;
	v39 =	vadd.s32 v3, v38  }
0xc0: {  	[tilespmem:s4], [sflag:$0x1] =	stream.indirect_vreg.gather [hbm4b:s6+s3], $0x80, v36, vm0, $0xb8;
	[tilespmem:$0x1F000] =	vst v63  }
0xc1: {  	s5 =	simm.s32 $0x8580;
	v18 =	vperm.xlane v18, v16;
	v41 =	vadd.s32 v3, v40  }
0xc2: {  	[tilespmem:s5], [sflag:$0x1] =	stream.indirect_vreg.gather [hbm4b:s6+s3], $0x80, v19, vm0, $0xb8;
	[tilespmem:$0x1F000] =	vst v63  }
0xc3: {  	s7 =	simm.s32 $0x8600;
	v18 =	vadd.s32 v3, v18  }
0xc4: {  	[tilespmem:s7], [sflag:$0x1] =	stream.indirect_vreg.gather [hbm4b:s6+s3], $0x80, v39, vm0, $0xb8;
	[tilespmem:$0x1F000] =	vst v63  }
0xc5: {  	s8 =	simm.s32 $0x8680  }
0xc6: {  	[tilespmem:s8], [sflag:$0x1] =	stream.indirect_vreg.gather [hbm4b:s6+s3], $0x80, v41, vm0, $0xb8;
	[tilespmem:$0x1F000] =	vst v63  }
0xc7: {  	s9 =	simm.s32 $0x8700  }
0xc8: {  	[tilespmem:s9], [sflag:$0x1] =	stream.indirect_vreg.gather [hbm4b:s6+s3], $0x80, v18, vm0, $0xb8;
	[tilespmem:$0x1F000] =	vst v63  }
0xc9: {  	v18 =	vld [tilespmem:$0x40];
	_ =	sdelay $0x4  }
0xca: {  	v19 =	vshll.u32 v18, $0x1  }
0xcb: {  	v18 =	vand.u32 $0x7, v18;
	v19 =	vand.u32 $0xFFFFFFF0, v19  }
0xcc: {  	v18 =	vor.u32 v18, v19  }
0xcd: {  	v19 =	vperm.xlane v18, v2;
	_ =	sdelay $0x1  }
0xce: {  	v42 =	vperm.xlane v18, v1;
	v19 =	vadd.s32 v3, v19;
	_ =	sdelay $0x1  }
0xcf: {  	v43 =	vperm.xlane v18, v4;
	v20 =	vadd.s32 v3, v42;
	_ =	sdelay $0x1  }
0xd0: {  	s10 =	simm.s32 $0x8780;
	v44 =	vperm.xlane v18, v5;
	v21 =	vadd.s32 v3, v43  }
0xd1: {  	[tilespmem:s10], [sflag:$0x1] =	stream.indirect_vreg.gather [hbm4b:s6+s3], $0x80, v19, vm0, $0xb8;
	[tilespmem:$0x1F000] =	vst v63  }
0xd2: {  	s11 =	simm.s32 $0x8800;
	v45 =	vperm.xlane v18, v6;
	v19 =	vadd.s32 v3, v44  }
0xd3: {  	[tilespmem:s11], [sflag:$0x1] =	stream.indirect_vreg.gather [hbm4b:s6+s3], $0x80, v20, vm0, $0xb8;
	[tilespmem:$0x1F000] =	vst v63  }
0xd4: {  	s12 =	simm.s32 $0x8880;
	v47 =	vperm.xlane v18, v7;
	v46 =	vadd.s32 v3, v45  }
0xd5: {  	[tilespmem:s12], [sflag:$0x1] =	stream.indirect_vreg.gather [hbm4b:s6+s3], $0x80, v21, vm0, $0xb8;
	[tilespmem:$0x1F000] =	vst v63  }
0xd6: {  	s14 =	simm.s32 $0x8900;
	v49 =	vperm.xlane v18, v8;
	v48 =	vadd.s32 v3, v47  }
0xd7: {  	[tilespmem:s14], [sflag:$0x1] =	stream.indirect_vreg.gather [hbm4b:s6+s3], $0x80, v19, vm0, $0xb8;
	[tilespmem:$0x1F000] =	vst v63  }
0xd8: {  	s16 =	simm.s32 $0x8980;
	v50 =	vperm.xlane v18, v0;
	v19 =	vadd.s32 v3, v49  }
0xd9: {  	[tilespmem:s16], [sflag:$0x1] =	stream.indirect_vreg.gather [hbm4b:s6+s3], $0x80, v46, vm0, $0xb8;
	[tilespmem:$0x1F000] =	vst v63  }
0xda: {  	s17 =	simm.s32 $0x8A00;
	v52 =	vperm.xlane v18, v9;
	v51 =	vadd.s32 v3, v50  }
0xdb: {  	[tilespmem:s17], [sflag:$0x1] =	stream.indirect_vreg.gather [hbm4b:s6+s3], $0x80, v48, vm0, $0xb8;
	[tilespmem:$0x1F000] =	vst v63  }
0xdc: {  	s18 =	simm.s32 $0x8A80;
	v54 =	vperm.xlane v18, v10;
	v53 =	vadd.s32 v3, v52  }
0xdd: {  	[tilespmem:s18], [sflag:$0x1] =	stream.indirect_vreg.gather [hbm4b:s6+s3], $0x80, v19, vm0, $0xb8;
	[tilespmem:$0x1F000] =	vst v63  }
0xde: {  	s19 =	simm.s32 $0x8B00;
	v55 =	vperm.xlane v18, v11;
	v19 =	vadd.s32 v3, v54  }
0xdf: {  	[tilespmem:s19], [sflag:$0x1] =	stream.indirect_vreg.gather [hbm4b:s6+s3], $0x80, v51, vm0, $0xb8;
	[tilespmem:$0x1F000] =	vst v63  }
0xe0: {  	s21 =	simm.s32 $0x8B80;
	v57 =	vperm.xlane v18, v12;
	v56 =	vadd.s32 v3, v55  }
0xe1: {  	[tilespmem:s21], [sflag:$0x1] =	stream.indirect_vreg.gather [hbm4b:s6+s3], $0x80, v53, vm0, $0xb8;
	[tilespmem:$0x1F000] =	vst v63  }
0xe2: {  	s22 =	simm.s32 $0x8C00;
	v59 =	vperm.xlane v18, v13;
	v58 =	vadd.s32 v3, v57  }
0xe3: {  	[tilespmem:s22], [sflag:$0x1] =	stream.indirect_vreg.gather [hbm4b:s6+s3], $0x80, v19, vm0, $0xb8;
	[tilespmem:$0x1F000] =	vst v63  }
0xe4: {  	s23 =	simm.s32 $0x8C80;
	v60 =	vperm.xlane v18, v14;
	v19 =	vadd.s32 v3, v59  }
0xe5: {  	[tilespmem:s23], [sflag:$0x1] =	stream.indirect_vreg.gather [hbm4b:s6+s3], $0x80, v56, vm0, $0xb8;
	[tilespmem:$0x1F000] =	vst v63  }
0xe6: {  	s24 =	simm.s32 $0x8D00;
	v62 =	vperm.xlane v18, v15;
	v61 =	vadd.s32 v3, v60  }
0xe7: {  	[tilespmem:s24], [sflag:$0x1] =	stream.indirect_vreg.gather [hbm4b:s6+s3], $0x80, v58, vm0, $0xb8;
	[tilespmem:$0x1F000] =	vst v63  }
0xe8: {  	s25 =	simm.s32 $0x8D80;
	v18 =	vperm.xlane v18, v16;
	v63 =	vadd.s32 v3, v62  }
0xe9: {  	[tilespmem:s25], [sflag:$0x1] =	stream.indirect_vreg.gather [hbm4b:s6+s3], $0x80, v19, vm0, $0xb8;
	[tilespmem:$0x1F000] =	vst v63  }
0xea: {  	s26 =	simm.s32 $0x8E00;
	v18 =	vadd.s32 v3, v18  }
0xeb: {  	[tilespmem:s26], [sflag:$0x1] =	stream.indirect_vreg.gather [hbm4b:s6+s3], $0x80, v61, vm0, $0xb8;
	[tilespmem:$0x1F000] =	vst v63  }
0xec: {  	s29 =	simm.s32 $0x8E80;
	s31 =	simm.s32 $0x8F00;
	s2 =	simm.s32 $0x6780  }
0xed: {  	[tilespmem:s29], [sflag:$0x1] =	stream.indirect_vreg.gather [hbm4b:s6+s3], $0x80, v63, vm0, $0xb8;
	[tilespmem:$0x1F000] =	vst v63  }
0xee: {  	s14 =	simm.s32 $0x70;
	s17 =	simm.s32 $0x7880;
	s18 =	simm.s32 $0x3C0  }
0xef: {  	[tilespmem:s31], [sflag:$0x1] =	stream.indirect_vreg.gather [hbm4b:s6+s3], $0x80, v18, vm0, $0xb8;
	[tilespmem:$0x1F000] =	vst v63  }
.LBB2_2:
0xf0: {  	p1 =	sne.s32 s18, $0x9FC0;
	[tilespmem:s14+$0x8F80] =	vst v17  }
0xf1: {  	[tilespmem:s14+$0x8F10] =	vst v17  }
0xf2: {  	[tilespmem:s14+$0x8F20] =	vst v17  }
.Ltmp0:
0xf3: {  	[tilespmem:s14+$0x8F30] =	vst v17;
	(pc) =	sbr.rel @p1 .LBB2_2-.Ltmp0, $4  }
0xf4: {  	[tilespmem:s14+$0x8F40] =	vst v17  }
0xf5: {  	[tilespmem:s14+$0x8F50] =	vst v17  }
0xf6: {  	[tilespmem:s14+$0x8F60] =	vst v17  }
0xf7: {  	[tilespmem:s14+$0x8F70] =	vst v17;
	s14 =	sshra.s32 s18, $0x2;
	s18 =	sadd.s32 $0x200, s18  }
0xf8: {  	[tilespmem:s14+$0x8F80] =	vst v17  }
0xf9: {  	[tilespmem:s14+$0x8F10] =	vst v17  }
0xfa: {  	[tilespmem:s14+$0x8F20] =	vst v17  }
0xfb: {  	[tilespmem:s14+$0x8F30] =	vst v17  }
0xfc: {  	[tilespmem:s14+$0x8F40] =	vst v17  }
0xfd: {  	[tilespmem:s14+$0x8F50] =	vst v17  }
0xfe: {  	[tilespmem:s14+$0x8F60] =	vst v17  }
0xff: {  	[tilespmem:s14+$0x8F70] =	vst v17;
	s8 =	rddreg [dreg:$0x8];
	s31 =	simm.s32 $0x8F80  }
0x100: {  	[spmem:s8] =	stream.linear.scatter [tilespmem:s31], [sflag:$0x4], $0x2800, $0x38;
	[tilespmem:$0x1F000] =	vst v63  }
0x101: {  	s9 =	rddreg [dreg:$0x9]  }
0x102: {  	[spmem:s9] =	stream.linear.scatter [tilespmem:s31], [sflag:$0x4], $0x2800, $0x38;
	[tilespmem:$0x1F000] =	vst v63  }
0x103: {  	s10 =	rddreg [dreg:$0xa]  }
0x104: {  	[spmem:s10] =	stream.linear.scatter [tilespmem:s31], [sflag:$0x4], $0x2800, $0x38;
	[tilespmem:$0x1F000] =	vst v63  }
0x105: {  	s11 =	rddreg [dreg:$0xb]  }
0x106: {  	[spmem:s11] =	stream.linear.scatter [tilespmem:s31], [sflag:$0x4], $0x2800, $0x38;
	[tilespmem:$0x1F000] =	vst v63  }
0x107: {  	s12 =	rddreg [dreg:$0xc]  }
0x108: {  	[spmem:s12] =	stream.linear.scatter [tilespmem:s31], [sflag:$0x4], $0x2800, $0x38;
	[tilespmem:$0x1F000] =	vst v63  }
0x109: {  	s16 =	rddreg [dreg:$0xd]  }
0x10a: {  	[spmem:s16] =	stream.linear.scatter [tilespmem:s31], [sflag:$0x4], $0x2800, $0x38;
	[tilespmem:$0x1F000] =	vst v63  }
0x10b: {  	s18 =	rddreg [dreg:$0xe]  }
0x10c: {  	[spmem:s18] =	stream.linear.scatter [tilespmem:s31], [sflag:$0x4], $0x2800, $0x38;
	[tilespmem:$0x1F000] =	vst v63  }
0x10d: {  	s19 =	rddreg [dreg:$0xf]  }
0x10e: {  	[spmem:s19] =	stream.linear.scatter [tilespmem:s31], [sflag:$0x4], $0x2080, $0x38;
	[tilespmem:$0x1F000] =	vst v63  }
0x10f: {  	_ =	swait.ge [sflag:s20], $0x2800  }
0x110: {  	[sflag:s20] =	ssyncset.done $0x0  }
0x111: {  	[sflag:s20] =	ssyncadd.s32 $0xFFFFD800  }
0x112: {  	_ =	swait.ge [sflag:s20], $0x2800  }
0x113: {  	[sflag:s20] =	ssyncset.done $0x0  }
0x114: {  	[sflag:s20] =	ssyncadd.s32 $0xFFFFD800  }
0x115: {  	_ =	swait.ge [sflag:s20], $0x2800  }
0x116: {  	[sflag:s20] =	ssyncset.done $0x0  }
0x117: {  	[sflag:s20] =	ssyncadd.s32 $0xFFFFD800  }
0x118: {  	_ =	swait.ge [sflag:s20], $0x2800  }
0x119: {  	[sflag:s20] =	ssyncset.done $0x0  }
0x11a: {  	[sflag:s20] =	ssyncadd.s32 $0xFFFFD800  }
0x11b: {  	_ =	swait.ge [sflag:s20], $0x2800  }
0x11c: {  	[sflag:s20] =	ssyncset.done $0x0  }
0x11d: {  	[sflag:s20] =	ssyncadd.s32 $0xFFFFD800  }
0x11e: {  	_ =	swait.ge [sflag:s20], $0x2800  }
0x11f: {  	[sflag:s20] =	ssyncset.done $0x0  }
0x120: {  	[sflag:s20] =	ssyncadd.s32 $0xFFFFD800  }
0x121: {  	_ =	swait.ge [sflag:s20], $0x2800  }
0x122: {  	[sflag:s20] =	ssyncset.done $0x0  }
0x123: {  	[sflag:s20] =	ssyncadd.s32 $0xFFFFD800  }
0x124: {  	_ =	swait.ge [sflag:s20], $0x2080  }
0x125: {  	[sflag:s20] =	ssyncset.done $0x0  }
0x126: {  	[sflag:s20] =	ssyncadd.s32 $0xFFFFDF80  }
0x127: {  	[bflag:$0x0] =	sbarrier.arrive $0xFFFF  }
0x128: {  	v18 =	vld [tilespmem:$0x50];
	_ =	sdelay $0x4  }
0x129: {  	v19 =	vshll.u32 v18, $0x1  }
0x12a: {  	v18 =	vand.u32 $0x7, v18;
	v19 =	vand.u32 $0xFFFFFFF0, v19  }
0x12b: {  	v18 =	vor.u32 v18, v19  }
0x12c: {  	v19 =	vperm.xlane v18, v2;
	_ =	sdelay $0x1  }
0x12d: {  	v20 =	vperm.xlane v18, v1;
	v19 =	vadd.s32 v3, v19;
	_ =	sdelay $0x1  }
0x12e: {  	v21 =	vperm.xlane v18, v4;
	v20 =	vadd.s32 v3, v20;
	_ =	sdelay $0x1  }
0x12f: {  	v22 =	vperm.xlane v18, v5;
	v21 =	vadd.s32 v3, v21  }
0x130: {  	[tilespmem:s31], [sflag:$0x2] =	stream.indirect_vreg.gather [hbm4b:s6+s3], $0x80, v19, vm0, $0xb8;
	[tilespmem:$0x1F000] =	vst v63  }
0x131: {  	s0 =	simm.s32 $0x9000;
	v37 =	vperm.xlane v18, v6;
	v19 =	vadd.s32 v3, v22  }
0x132: {  	[tilespmem:s0], [sflag:$0x2] =	stream.indirect_vreg.gather [hbm4b:s6+s3], $0x80, v20, vm0, $0xb8;
	[tilespmem:$0x1F000] =	vst v63  }
0x133: {  	s21 =	simm.s32 $0x9080;
	v39 =	vperm.xlane v18, v7;
	v38 =	vadd.s32 v3, v37  }
0x134: {  	[tilespmem:s21], [sflag:$0x2] =	stream.indirect_vreg.gather [hbm4b:s6+s3], $0x80, v21, vm0, $0xb8;
	[tilespmem:$0x1F000] =	vst v63  }
0x135: {  	s22 =	simm.s32 $0x9100;
	v41 =	vperm.xlane v18, v8;
	v40 =	vadd.s32 v3, v39  }
0x136: {  	[tilespmem:s22], [sflag:$0x2] =	stream.indirect_vreg.gather [hbm4b:s6+s3], $0x80, v19, vm0, $0xb8;
	[tilespmem:$0x1F000] =	vst v63  }
0x137: {  	s23 =	simm.s32 $0x9180;
	v42 =	vperm.xlane v18, v0;
	v19 =	vadd.s32 v3, v41  }
0x138: {  	[tilespmem:s23], [sflag:$0x2] =	stream.indirect_vreg.gather [hbm4b:s6+s3], $0x80, v38, vm0, $0xb8;
	[tilespmem:$0x1F000] =	vst v63  }
0x139: {  	s24 =	simm.s32 $0x9200;
	v44 =	vperm.xlane v18, v9;
	v43 =	vadd.s32 v3, v42  }
0x13a: {  	[tilespmem:s24], [sflag:$0x2] =	stream.indirect_vreg.gather [hbm4b:s6+s3], $0x80, v40, vm0, $0xb8;
	[tilespmem:$0x1F000] =	vst v63  }
0x13b: {  	s25 =	simm.s32 $0x9280;
	v46 =	vperm.xlane v18, v10;
	v45 =	vadd.s32 v3, v44  }
0x13c: {  	[tilespmem:s25], [sflag:$0x2] =	stream.indirect_vreg.gather [hbm4b:s6+s3], $0x80, v19, vm0, $0xb8;
	[tilespmem:$0x1F000] =	vst v63  }
0x13d: {  	s26 =	simm.s32 $0x9300;
	v47 =	vperm.xlane v18, v11;
	v19 =	vadd.s32 v3, v46  }
0x13e: {  	[tilespmem:s26], [sflag:$0x2] =	stream.indirect_vreg.gather [hbm4b:s6+s3], $0x80, v43, vm0, $0xb8;
	[tilespmem:$0x1F000] =	vst v63  }
0x13f: {  	s4 =	simm.s32 $0x9380;
	v49 =	vperm.xlane v18, v12;
	v48 =	vadd.s32 v3, v47  }
0x140: {  	[tilespmem:s4], [sflag:$0x2] =	stream.indirect_vreg.gather [hbm4b:s6+s3], $0x80, v45, vm0, $0xb8;
	[tilespmem:$0x1F000] =	vst v63  }
0x141: {  	s5 =	simm.s32 $0x9400;
	v51 =	vperm.xlane v18, v13;
	v50 =	vadd.s32 v3, v49  }
0x142: {  	[tilespmem:s5], [sflag:$0x2] =	stream.indirect_vreg.gather [hbm4b:s6+s3], $0x80, v19, vm0, $0xb8;
	[tilespmem:$0x1F000] =	vst v63  }
0x143: {  	s7 =	simm.s32 $0x9480;
	v52 =	vperm.xlane v18, v14;
	v19 =	vadd.s32 v3, v51  }
0x144: {  	[tilespmem:s7], [sflag:$0x2] =	stream.indirect_vreg.gather [hbm4b:s6+s3], $0x80, v48, vm0, $0xb8;
	[tilespmem:$0x1F000] =	vst v63  }
0x145: {  	s8 =	simm.s32 $0x9500;
	v54 =	vperm.xlane v18, v15;
	v53 =	vadd.s32 v3, v52  }
0x146: {  	[tilespmem:s8], [sflag:$0x2] =	stream.indirect_vreg.gather [hbm4b:s6+s3], $0x80, v50, vm0, $0xb8;
	[tilespmem:$0x1F000] =	vst v63  }
0x147: {  	s9 =	simm.s32 $0x9580;
	v18 =	vperm.xlane v18, v16;
	v55 =	vadd.s32 v3, v54  }
0x148: {  	[tilespmem:s9], [sflag:$0x2] =	stream.indirect_vreg.gather [hbm4b:s6+s3], $0x80, v19, vm0, $0xb8;
	[tilespmem:$0x1F000] =	vst v63  }
0x149: {  	s10 =	simm.s32 $0x9600;
	v18 =	vadd.s32 v3, v18  }
0x14a: {  	[tilespmem:s10], [sflag:$0x2] =	stream.indirect_vreg.gather [hbm4b:s6+s3], $0x80, v53, vm0, $0xb8;
	[tilespmem:$0x1F000] =	vst v63  }
0x14b: {  	s11 =	simm.s32 $0x9680  }
0x14c: {  	[tilespmem:s11], [sflag:$0x2] =	stream.indirect_vreg.gather [hbm4b:s6+s3], $0x80, v55, vm0, $0xb8;
	[tilespmem:$0x1F000] =	vst v63  }
0x14d: {  	s12 =	simm.s32 $0x9700  }
0x14e: {  	[tilespmem:s12], [sflag:$0x2] =	stream.indirect_vreg.gather [hbm4b:s6+s3], $0x80, v18, vm0, $0xb8;
	[tilespmem:$0x1F000] =	vst v63  }
0x14f: {  	v18 =	vld [tilespmem:$0x60];
	_ =	sdelay $0x4  }
0x150: {  	v19 =	vshll.u32 v18, $0x1  }
0x151: {  	v18 =	vand.u32 $0x7, v18;
	v19 =	vand.u32 $0xFFFFFFF0, v19  }
0x152: {  	v18 =	vor.u32 v18, v19  }
0x153: {  	v19 =	vperm.xlane v18, v2;
	_ =	sdelay $0x1  }
0x154: {  	v56 =	vperm.xlane v18, v1;
	v19 =	vadd.s32 v3, v19;
	_ =	sdelay $0x1  }
0x155: {  	v57 =	vperm.xlane v18, v4;
	v20 =	vadd.s32 v3, v56;
	_ =	sdelay $0x1  }
0x156: {  	s14 =	simm.s32 $0x9780;
	v58 =	vperm.xlane v18, v5;
	v21 =	vadd.s32 v3, v57  }
0x157: {  	[tilespmem:s14], [sflag:$0x2] =	stream.indirect_vreg.gather [hbm4b:s6+s3], $0x80, v19, vm0, $0xb8;
	[tilespmem:$0x1F000] =	vst v63  }
0x158: {  	s16 =	simm.s32 $0x9800;
	v59 =	vperm.xlane v18, v6;
	v19 =	vadd.s32 v3, v58  }
0x159: {  	[tilespmem:s16], [sflag:$0x2] =	stream.indirect_vreg.gather [hbm4b:s6+s3], $0x80, v20, vm0, $0xb8;
	[tilespmem:$0x1F000] =	vst v63  }
0x15a: {  	s18 =	simm.s32 $0x9880;
	v61 =	vperm.xlane v18, v7;
	v60 =	vadd.s32 v3, v59  }
0x15b: {  	[tilespmem:s18], [sflag:$0x2] =	stream.indirect_vreg.gather [hbm4b:s6+s3], $0x80, v21, vm0, $0xb8;
	[tilespmem:$0x1F000] =	vst v63  }
0x15c: {  	s19 =	simm.s32 $0x9900;
	v63 =	vperm.xlane v18, v8;
	v62 =	vadd.s32 v3, v61  }
0x15d: {  	[tilespmem:s19], [sflag:$0x2] =	stream.indirect_vreg.gather [hbm4b:s6+s3], $0x80, v19, vm0, $0xb8;
	[tilespmem:$0x1F000] =	vst v63  }
0x15e: {  	s21 =	simm.s32 $0x9980;
	v24 =	vperm.xlane v18, v0;
	v19 =	vadd.s32 v3, v63  }
0x15f: {  	[tilespmem:s21], [sflag:$0x2] =	stream.indirect_vreg.gather [hbm4b:s6+s3], $0x80, v60, vm0, $0xb8;
	[tilespmem:$0x1F000] =	vst v63  }
0x160: {  	s22 =	simm.s32 $0x9A00;
	v26 =	vperm.xlane v18, v9;
	v25 =	vadd.s32 v3, v24  }
0x161: {  	[tilespmem:s22], [sflag:$0x2] =	stream.indirect_vreg.gather [hbm4b:s6+s3], $0x80, v62, vm0, $0xb8;
	[tilespmem:$0x1F000] =	vst v63  }
0x162: {  	s23 =	simm.s32 $0x9A80;
	v28 =	vperm.xlane v18, v10;
	v27 =	vadd.s32 v3, v26  }
0x163: {  	[tilespmem:s23], [sflag:$0x2] =	stream.indirect_vreg.gather [hbm4b:s6+s3], $0x80, v19, vm0, $0xb8;
	[tilespmem:$0x1F000] =	vst v63  }
0x164: {  	s24 =	simm.s32 $0x9B00;
	v29 =	vperm.xlane v18, v11;
	v19 =	vadd.s32 v3, v28  }
0x165: {  	[tilespmem:s24], [sflag:$0x2] =	stream.indirect_vreg.gather [hbm4b:s6+s3], $0x80, v25, vm0, $0xb8;
	[tilespmem:$0x1F000] =	vst v63  }
0x166: {  	s25 =	simm.s32 $0x9B80;
	v31 =	vperm.xlane v18, v12;
	v30 =	vadd.s32 v3, v29  }
0x167: {  	[tilespmem:s25], [sflag:$0x2] =	stream.indirect_vreg.gather [hbm4b:s6+s3], $0x80, v27, vm0, $0xb8;
	[tilespmem:$0x1F000] =	vst v63  }
0x168: {  	s26 =	simm.s32 $0x9C00;
	v33 =	vperm.xlane v18, v13;
	v32 =	vadd.s32 v3, v31  }
0x169: {  	[tilespmem:s26], [sflag:$0x2] =	stream.indirect_vreg.gather [hbm4b:s6+s3], $0x80, v19, vm0, $0xb8;
	[tilespmem:$0x1F000] =	vst v63  }
0x16a: {  	s4 =	simm.s32 $0x9C80;
	v34 =	vperm.xlane v18, v14;
	v19 =	vadd.s32 v3, v33  }
0x16b: {  	[tilespmem:s4], [sflag:$0x2] =	stream.indirect_vreg.gather [hbm4b:s6+s3], $0x80, v30, vm0, $0xb8;
	[tilespmem:$0x1F000] =	vst v63  }
0x16c: {  	s5 =	simm.s32 $0x9D00;
	v36 =	vperm.xlane v18, v15;
	v35 =	vadd.s32 v3, v34  }
0x16d: {  	[tilespmem:s5], [sflag:$0x2] =	stream.indirect_vreg.gather [hbm4b:s6+s3], $0x80, v32, vm0, $0xb8;
	[tilespmem:$0x1F000] =	vst v63  }
0x16e: {  	s7 =	simm.s32 $0x9D80;
	v18 =	vperm.xlane v18, v16;
	v37 =	vadd.s32 v3, v36  }
0x16f: {  	[tilespmem:s7], [sflag:$0x2] =	stream.indirect_vreg.gather [hbm4b:s6+s3], $0x80, v19, vm0, $0xb8;
	[tilespmem:$0x1F000] =	vst v63  }
0x170: {  	s8 =	simm.s32 $0x9E00;
	v18 =	vadd.s32 v3, v18  }
0x171: {  	[tilespmem:s8], [sflag:$0x2] =	stream.indirect_vreg.gather [hbm4b:s6+s3], $0x80, v35, vm0, $0xb8;
	[tilespmem:$0x1F000] =	vst v63  }
0x172: {  	s9 =	simm.s32 $0x9E80  }
0x173: {  	[tilespmem:s9], [sflag:$0x2] =	stream.indirect_vreg.gather [hbm4b:s6+s3], $0x80, v37, vm0, $0xb8;
	[tilespmem:$0x1F000] =	vst v63  }
0x174: {  	s10 =	simm.s32 $0x9F00  }
0x175: {  	[tilespmem:s10], [sflag:$0x2] =	stream.indirect_vreg.gather [hbm4b:s6+s3], $0x80, v18, vm0, $0xb8;
	[tilespmem:$0x1F000] =	vst v63  }
0x176: {  	v18 =	vld [tilespmem:$0x70];
	_ =	sdelay $0x4  }
0x177: {  	v19 =	vshll.u32 v18, $0x1  }
0x178: {  	v18 =	vand.u32 $0x7, v18;
	v19 =	vand.u32 $0xFFFFFFF0, v19  }
0x179: {  	v18 =	vor.u32 v18, v19  }
0x17a: {  	v19 =	vperm.xlane v18, v2;
	_ =	sdelay $0x1  }
0x17b: {  	v38 =	vperm.xlane v18, v1;
	v19 =	vadd.s32 v3, v19;
	_ =	sdelay $0x1  }
0x17c: {  	v39 =	vperm.xlane v18, v4;
	v20 =	vadd.s32 v3, v38;
	_ =	sdelay $0x1  }
0x17d: {  	s11 =	simm.s32 $0x9F80;
	v40 =	vperm.xlane v18, v5;
	v21 =	vadd.s32 v3, v39  }
0x17e: {  	[tilespmem:s11], [sflag:$0x2] =	stream.indirect_vreg.gather [hbm4b:s6+s3], $0x80, v19, vm0, $0xb8;
	[tilespmem:$0x1F000] =	vst v63  }
0x17f: {  	s12 =	simm.s32 $0xA000;
	v41 =	vperm.xlane v18, v6;
	v19 =	vadd.s32 v3, v40  }
0x180: {  	[tilespmem:s12], [sflag:$0x2] =	stream.indirect_vreg.gather [hbm4b:s6+s3], $0x80, v20, vm0, $0xb8;
	[tilespmem:$0x1F000] =	vst v63  }
0x181: {  	s14 =	simm.s32 $0xA080;
	v43 =	vperm.xlane v18, v7;
	v42 =	vadd.s32 v3, v41  }
0x182: {  	[tilespmem:s14], [sflag:$0x2] =	stream.indirect_vreg.gather [hbm4b:s6+s3], $0x80, v21, vm0, $0xb8;
	[tilespmem:$0x1F000] =	vst v63  }
0x183: {  	s16 =	simm.s32 $0xA100;
	v45 =	vperm.xlane v18, v8;
	v44 =	vadd.s32 v3, v43  }
0x184: {  	[tilespmem:s16], [sflag:$0x2] =	stream.indirect_vreg.gather [hbm4b:s6+s3], $0x80, v19, vm0, $0xb8;
	[tilespmem:$0x1F000] =	vst v63  }
0x185: {  	s18 =	simm.s32 $0xA180;
	v46 =	vperm.xlane v18, v0;
	v19 =	vadd.s32 v3, v45  }
0x186: {  	[tilespmem:s18], [sflag:$0x2] =	stream.indirect_vreg.gather [hbm4b:s6+s3], $0x80, v42, vm0, $0xb8;
	[tilespmem:$0x1F000] =	vst v63  }
0x187: {  	s19 =	simm.s32 $0xA200;
	v48 =	vperm.xlane v18, v9;
	v47 =	vadd.s32 v3, v46  }
0x188: {  	[tilespmem:s19], [sflag:$0x2] =	stream.indirect_vreg.gather [hbm4b:s6+s3], $0x80, v44, vm0, $0xb8;
	[tilespmem:$0x1F000] =	vst v63  }
0x189: {  	s21 =	simm.s32 $0xA280;
	v50 =	vperm.xlane v18, v10;
	v49 =	vadd.s32 v3, v48  }
0x18a: {  	[tilespmem:s21], [sflag:$0x2] =	stream.indirect_vreg.gather [hbm4b:s6+s3], $0x80, v19, vm0, $0xb8;
	[tilespmem:$0x1F000] =	vst v63  }
0x18b: {  	s22 =	simm.s32 $0xA300;
	v51 =	vperm.xlane v18, v11;
	v19 =	vadd.s32 v3, v50  }
0x18c: {  	[tilespmem:s22], [sflag:$0x2] =	stream.indirect_vreg.gather [hbm4b:s6+s3], $0x80, v47, vm0, $0xb8;
	[tilespmem:$0x1F000] =	vst v63  }
0x18d: {  	s23 =	simm.s32 $0xA380;
	v53 =	vperm.xlane v18, v12;
	v52 =	vadd.s32 v3, v51  }
0x18e: {  	[tilespmem:s23], [sflag:$0x2] =	stream.indirect_vreg.gather [hbm4b:s6+s3], $0x80, v49, vm0, $0xb8;
	[tilespmem:$0x1F000] =	vst v63  }
0x18f: {  	s24 =	simm.s32 $0xA400;
	v55 =	vperm.xlane v18, v13;
	v54 =	vadd.s32 v3, v53  }
0x190: {  	[tilespmem:s24], [sflag:$0x2] =	stream.indirect_vreg.gather [hbm4b:s6+s3], $0x80, v19, vm0, $0xb8;
	[tilespmem:$0x1F000] =	vst v63  }
0x191: {  	s25 =	simm.s32 $0xA480;
	v56 =	vperm.xlane v18, v14;
	v19 =	vadd.s32 v3, v55  }
0x192: {  	[tilespmem:s25], [sflag:$0x2] =	stream.indirect_vreg.gather [hbm4b:s6+s3], $0x80, v52, vm0, $0xb8;
	[tilespmem:$0x1F000] =	vst v63  }
0x193: {  	s26 =	simm.s32 $0xA500;
	v58 =	vperm.xlane v18, v15;
	v57 =	vadd.s32 v3, v56  }
0x194: {  	[tilespmem:s26], [sflag:$0x2] =	stream.indirect_vreg.gather [hbm4b:s6+s3], $0x80, v54, vm0, $0xb8;
	[tilespmem:$0x1F000] =	vst v63  }
0x195: {  	s4 =	simm.s32 $0xA580;
	v18 =	vperm.xlane v18, v16;
	v59 =	vadd.s32 v3, v58  }
0x196: {  	[tilespmem:s4], [sflag:$0x2] =	stream.indirect_vreg.gather [hbm4b:s6+s3], $0x80, v19, vm0, $0xb8;
	[tilespmem:$0x1F000] =	vst v63  }
0x197: {  	s5 =	simm.s32 $0xA600;
	v18 =	vadd.s32 v3, v18  }
0x198: {  	[tilespmem:s5], [sflag:$0x2] =	stream.indirect_vreg.gather [hbm4b:s6+s3], $0x80, v57, vm0, $0xb8;
	[tilespmem:$0x1F000] =	vst v63  }
0x199: {  	s7 =	simm.s32 $0xA680  }
0x19a: {  	[tilespmem:s7], [sflag:$0x2] =	stream.indirect_vreg.gather [hbm4b:s6+s3], $0x80, v59, vm0, $0xb8;
	[tilespmem:$0x1F000] =	vst v63  }
0x19b: {  	s8 =	simm.s32 $0xA700  }
0x19c: {  	[tilespmem:s8], [sflag:$0x2] =	stream.indirect_vreg.gather [hbm4b:s6+s3], $0x80, v18, vm0, $0xb8;
	[tilespmem:$0x1F000] =	vst v63  }
0x19d: {  	v18 =	vld [tilespmem:$0x80];
	_ =	sdelay $0x4  }
0x19e: {  	v19 =	vshll.u32 v18, $0x1  }
0x19f: {  	v18 =	vand.u32 $0x7, v18;
	v19 =	vand.u32 $0xFFFFFFF0, v19  }
0x1a0: {  	v18 =	vor.u32 v18, v19  }
0x1a1: {  	v19 =	vperm.xlane v18, v2;
	_ =	sdelay $0x1  }
0x1a2: {  	v60 =	vperm.xlane v18, v1;
	v19 =	vadd.s32 v3, v19;
	_ =	sdelay $0x1  }
0x1a3: {  	v61 =	vperm.xlane v18, v4;
	v20 =	vadd.s32 v3, v60;
	_ =	sdelay $0x1  }
0x1a4: {  	s9 =	simm.s32 $0xA780;
	v62 =	vperm.xlane v18, v5;
	v21 =	vadd.s32 v3, v61  }
0x1a5: {  	[tilespmem:s9], [sflag:$0x2] =	stream.indirect_vreg.gather [hbm4b:s6+s3], $0x80, v19, vm0, $0xb8;
	[tilespmem:$0x1F000] =	vst v63  }
0x1a6: {  	s10 =	simm.s32 $0xA800;
	v63 =	vperm.xlane v18, v6;
	v19 =	vadd.s32 v3, v62  }
0x1a7: {  	[tilespmem:s10], [sflag:$0x2] =	stream.indirect_vreg.gather [hbm4b:s6+s3], $0x80, v20, vm0, $0xb8;
	[tilespmem:$0x1F000] =	vst v63  }
0x1a8: {  	s11 =	simm.s32 $0xA880;
	v25 =	vperm.xlane v18, v7;
	v24 =	vadd.s32 v3, v63  }
0x1a9: {  	[tilespmem:s11], [sflag:$0x2] =	stream.indirect_vreg.gather [hbm4b:s6+s3], $0x80, v21, vm0, $0xb8;
	[tilespmem:$0x1F000] =	vst v63  }
0x1aa: {  	s12 =	simm.s32 $0xA900;
	v27 =	vperm.xlane v18, v8;
	v26 =	vadd.s32 v3, v25  }
0x1ab: {  	[tilespmem:s12], [sflag:$0x2] =	stream.indirect_vreg.gather [hbm4b:s6+s3], $0x80, v19, vm0, $0xb8;
	[tilespmem:$0x1F000] =	vst v63  }
0x1ac: {  	s14 =	simm.s32 $0xA980;
	v28 =	vperm.xlane v18, v0;
	v19 =	vadd.s32 v3, v27  }
0x1ad: {  	[tilespmem:s14], [sflag:$0x2] =	stream.indirect_vreg.gather [hbm4b:s6+s3], $0x80, v24, vm0, $0xb8;
	[tilespmem:$0x1F000] =	vst v63  }
0x1ae: {  	s16 =	simm.s32 $0xAA00;
	v30 =	vperm.xlane v18, v9;
	v29 =	vadd.s32 v3, v28  }
0x1af: {  	[tilespmem:s16], [sflag:$0x2] =	stream.indirect_vreg.gather [hbm4b:s6+s3], $0x80, v26, vm0, $0xb8;
	[tilespmem:$0x1F000] =	vst v63  }
0x1b0: {  	s18 =	simm.s32 $0xAA80;
	v32 =	vperm.xlane v18, v10;
	v31 =	vadd.s32 v3, v30  }
0x1b1: {  	[tilespmem:s18], [sflag:$0x2] =	stream.indirect_vreg.gather [hbm4b:s6+s3], $0x80, v19, vm0, $0xb8;
	[tilespmem:$0x1F000] =	vst v63  }
0x1b2: {  	s19 =	simm.s32 $0xAB00;
	v33 =	vperm.xlane v18, v11;
	v19 =	vadd.s32 v3, v32  }
0x1b3: {  	[tilespmem:s19], [sflag:$0x2] =	stream.indirect_vreg.gather [hbm4b:s6+s3], $0x80, v29, vm0, $0xb8;
	[tilespmem:$0x1F000] =	vst v63  }
0x1b4: {  	s21 =	simm.s32 $0xAB80;
	v35 =	vperm.xlane v18, v12;
	v34 =	vadd.s32 v3, v33  }
0x1b5: {  	[tilespmem:s21], [sflag:$0x2] =	stream.indirect_vreg.gather [hbm4b:s6+s3], $0x80, v31, vm0, $0xb8;
	[tilespmem:$0x1F000] =	vst v63  }
0x1b6: {  	s22 =	simm.s32 $0xAC00;
	v37 =	vperm.xlane v18, v13;
	v36 =	vadd.s32 v3, v35  }
0x1b7: {  	[tilespmem:s22], [sflag:$0x2] =	stream.indirect_vreg.gather [hbm4b:s6+s3], $0x80, v19, vm0, $0xb8;
	[tilespmem:$0x1F000] =	vst v63  }
0x1b8: {  	s23 =	simm.s32 $0xAC80;
	v38 =	vperm.xlane v18, v14;
	v19 =	vadd.s32 v3, v37  }
0x1b9: {  	[tilespmem:s23], [sflag:$0x2] =	stream.indirect_vreg.gather [hbm4b:s6+s3], $0x80, v34, vm0, $0xb8;
	[tilespmem:$0x1F000] =	vst v63  }
0x1ba: {  	s24 =	simm.s32 $0xAD00;
	v40 =	vperm.xlane v18, v15;
	v39 =	vadd.s32 v3, v38  }
0x1bb: {  	[tilespmem:s24], [sflag:$0x2] =	stream.indirect_vreg.gather [hbm4b:s6+s3], $0x80, v36, vm0, $0xb8;
	[tilespmem:$0x1F000] =	vst v63  }
0x1bc: {  	s25 =	simm.s32 $0xAD80;
	v18 =	vperm.xlane v18, v16;
	v41 =	vadd.s32 v3, v40  }
0x1bd: {  	[tilespmem:s25], [sflag:$0x2] =	stream.indirect_vreg.gather [hbm4b:s6+s3], $0x80, v19, vm0, $0xb8;
	[tilespmem:$0x1F000] =	vst v63  }
0x1be: {  	s26 =	simm.s32 $0xAE00;
	v18 =	vadd.s32 v3, v18  }
0x1bf: {  	[tilespmem:s26], [sflag:$0x2] =	stream.indirect_vreg.gather [hbm4b:s6+s3], $0x80, v39, vm0, $0xb8;
	[tilespmem:$0x1F000] =	vst v63  }
0x1c0: {  	s4 =	simm.s32 $0xAE80  }
0x1c1: {  	[tilespmem:s4], [sflag:$0x2] =	stream.indirect_vreg.gather [hbm4b:s6+s3], $0x80, v41, vm0, $0xb8;
	[tilespmem:$0x1F000] =	vst v63  }
0x1c2: {  	s5 =	simm.s32 $0xAF00  }
0x1c3: {  	[tilespmem:s5], [sflag:$0x2] =	stream.indirect_vreg.gather [hbm4b:s6+s3], $0x80, v18, vm0, $0xb8;
	[tilespmem:$0x1F000] =	vst v63  }
0x1c4: {  	v18 =	vld [tilespmem:$0x90];
	_ =	sdelay $0x4  }
0x1c5: {  	v19 =	vshll.u32 v18, $0x1  }
0x1c6: {  	v18 =	vand.u32 $0x7, v18;
	v19 =	vand.u32 $0xFFFFFFF0, v19  }
0x1c7: {  	v18 =	vor.u32 v18, v19  }
0x1c8: {  	v19 =	vperm.xlane v18, v2;
	_ =	sdelay $0x1  }
0x1c9: {  	v42 =	vperm.xlane v18, v1;
	v19 =	vadd.s32 v3, v19;
	_ =	sdelay $0x1  }
0x1ca: {  	v43 =	vperm.xlane v18, v4;
	v20 =	vadd.s32 v3, v42;
	_ =	sdelay $0x1  }
0x1cb: {  	s7 =	simm.s32 $0xAF80;
	v44 =	vperm.xlane v18, v5;
	v21 =	vadd.s32 v3, v43  }
0x1cc: {  	[tilespmem:s7], [sflag:$0x2] =	stream.indirect_vreg.gather [hbm4b:s6+s3], $0x80, v19, vm0, $0xb8;
	[tilespmem:$0x1F000] =	vst v63  }
0x1cd: {  	s8 =	simm.s32 $0xB000;
	v45 =	vperm.xlane v18, v6;
	v19 =	vadd.s32 v3, v44  }
0x1ce: {  	[tilespmem:s8], [sflag:$0x2] =	stream.indirect_vreg.gather [hbm4b:s6+s3], $0x80, v20, vm0, $0xb8;
	[tilespmem:$0x1F000] =	vst v63  }
0x1cf: {  	s9 =	simm.s32 $0xB080;
	v47 =	vperm.xlane v18, v7;
	v46 =	vadd.s32 v3, v45  }
0x1d0: {  	[tilespmem:s9], [sflag:$0x2] =	stream.indirect_vreg.gather [hbm4b:s6+s3], $0x80, v21, vm0, $0xb8;
	[tilespmem:$0x1F000] =	vst v63  }
0x1d1: {  	s10 =	simm.s32 $0xB100;
	v49 =	vperm.xlane v18, v8;
	v48 =	vadd.s32 v3, v47  }
0x1d2: {  	[tilespmem:s10], [sflag:$0x2] =	stream.indirect_vreg.gather [hbm4b:s6+s3], $0x80, v19, vm0, $0xb8;
	[tilespmem:$0x1F000] =	vst v63  }
0x1d3: {  	s11 =	simm.s32 $0xB180;
	v50 =	vperm.xlane v18, v0;
	v19 =	vadd.s32 v3, v49  }
0x1d4: {  	[tilespmem:s11], [sflag:$0x2] =	stream.indirect_vreg.gather [hbm4b:s6+s3], $0x80, v46, vm0, $0xb8;
	[tilespmem:$0x1F000] =	vst v63  }
0x1d5: {  	s12 =	simm.s32 $0xB200;
	v52 =	vperm.xlane v18, v9;
	v51 =	vadd.s32 v3, v50  }
0x1d6: {  	[tilespmem:s12], [sflag:$0x2] =	stream.indirect_vreg.gather [hbm4b:s6+s3], $0x80, v48, vm0, $0xb8;
	[tilespmem:$0x1F000] =	vst v63  }
0x1d7: {  	s14 =	simm.s32 $0xB280;
	v54 =	vperm.xlane v18, v10;
	v53 =	vadd.s32 v3, v52  }
0x1d8: {  	[tilespmem:s14], [sflag:$0x2] =	stream.indirect_vreg.gather [hbm4b:s6+s3], $0x80, v19, vm0, $0xb8;
	[tilespmem:$0x1F000] =	vst v63  }
0x1d9: {  	s16 =	simm.s32 $0xB300;
	v55 =	vperm.xlane v18, v11;
	v19 =	vadd.s32 v3, v54  }
0x1da: {  	[tilespmem:s16], [sflag:$0x2] =	stream.indirect_vreg.gather [hbm4b:s6+s3], $0x80, v51, vm0, $0xb8;
	[tilespmem:$0x1F000] =	vst v63  }
0x1db: {  	s18 =	simm.s32 $0xB380;
	v57 =	vperm.xlane v18, v12;
	v56 =	vadd.s32 v3, v55  }
0x1dc: {  	[tilespmem:s18], [sflag:$0x2] =	stream.indirect_vreg.gather [hbm4b:s6+s3], $0x80, v53, vm0, $0xb8;
	[tilespmem:$0x1F000] =	vst v63  }
0x1dd: {  	s19 =	simm.s32 $0xB400;
	v59 =	vperm.xlane v18, v13;
	v58 =	vadd.s32 v3, v57  }
0x1de: {  	[tilespmem:s19], [sflag:$0x2] =	stream.indirect_vreg.gather [hbm4b:s6+s3], $0x80, v19, vm0, $0xb8;
	[tilespmem:$0x1F000] =	vst v63  }
0x1df: {  	s21 =	simm.s32 $0xB480;
	v60 =	vperm.xlane v18, v14;
	v19 =	vadd.s32 v3, v59  }
0x1e0: {  	[tilespmem:s21], [sflag:$0x2] =	stream.indirect_vreg.gather [hbm4b:s6+s3], $0x80, v56, vm0, $0xb8;
	[tilespmem:$0x1F000] =	vst v63  }
0x1e1: {  	s29 =	simm.s32 $0x7380;
	s22 =	simm.s32 $0xB500;
	v62 =	vperm.xlane v18, v15;
	v61 =	vadd.s32 v3, v60  }
0x1e2: {  	[tilespmem:s22], [sflag:$0x2] =	stream.indirect_vreg.gather [hbm4b:s6+s3], $0x80, v58, vm0, $0xb8;
	[tilespmem:$0x1F000] =	vst v63  }
0x1e3: {  	s0 =	simm.s32 $0x7480;
	s23 =	simm.s32 $0xB580;
	s24 =	simm.s32 $0xB600;
	v18 =	vperm.xlane v18, v16;
	v63 =	vadd.s32 v3, v62  }
0x1e4: {  	[tilespmem:s23], [sflag:$0x2] =	stream.indirect_vreg.gather [hbm4b:s6+s3], $0x80, v19, vm0, $0xb8;
	[tilespmem:$0x1F000] =	vst v63  }
0x1e5: {  	s25 =	simm.s32 $0xB680;
	s4 =	simm.s32 $0xB700;
	s5 =	simm.s32 $0x50;
	v18 =	vadd.s32 v3, v18  }
0x1e6: {  	[tilespmem:s24], [sflag:$0x2] =	stream.indirect_vreg.gather [hbm4b:s6+s3], $0x80, v61, vm0, $0xb8;
	[tilespmem:$0x1F000] =	vst v63  }
0x1e7: {  	s7 =	simm.s32 $0x7780;
	s8 =	simm.s32 $0x7400;
	s9 =	simm.s32 $0x7300  }
0x1e8: {  	[tilespmem:s25], [sflag:$0x2] =	stream.indirect_vreg.gather [hbm4b:s6+s3], $0x80, v63, vm0, $0xb8;
	[tilespmem:$0x1F000] =	vst v63  }
0x1e9: {  	s10 =	simm.s32 $0x7200;
	s11 =	simm.s32 $0x7100;
	s12 =	simm.s32 $0x6780  }
0x1ea: {  	[tilespmem:s4], [sflag:$0x2] =	stream.indirect_vreg.gather [hbm4b:s6+s3], $0x80, v18, vm0, $0xb8;
	[tilespmem:$0x1F000] =	vst v63  }
0x1eb: {  	s14 =	simm.s32 $0x130;
	s16 =	simm.s32 $0x7080;
	_ =	swait.ge [sflag:s1], $0x2800  }
0x1ec: {  	s18 =	simm.s32 $0xFFFF0C00;
	s19 =	simm.s32 $0x7280;
	[sflag:s1] =	ssyncset.done $0x0  }
0x1ed: {  	s21 =	simm.s32 $0x7500;
	s22 =	simm.s32 $0x7800;
	[sflag:s1] =	ssyncadd.s32 $0xFFFFD800  }
0x1ee: {  	s23 =	simm.s32 $0x7180;
	s24 =	simm.s32 $0x7680;
	s26 =	rddreg [dreg:$0x4]  }
0x1ef: {  	[spmem:s26] =	stream.indirect.scatter.add.f32 [tilespmem:s2], [sflag:$0x3], $0x80, s15, s5, $0xb8;
	[tilespmem:$0x1F000] =	vst v63  }
0x1f0: {  	s25 =	simm.s32 $0x7580;
	s26 =	simm.s32 $0x7600;
	s2 =	simm.s32 $0x7700  }
.LBB2_4:
0x1f1: {  	_ =	swait.ge [sflag:s30], $0x2800  }
0x1f2: {  	[sflag:s30] =	ssyncset.done $0x0  }
0x1f3: {  	[sflag:s30] =	ssyncadd.s32 $0xFFFFD800  }
0x1f4: {  	v18 =	vld [tilespmem:s14+$0xFFFFFF70];
	_ =	sdelay $0x4  }
0x1f5: {  	v19 =	vshll.u32 v18, $0x1  }
0x1f6: {  	v18 =	vand.u32 $0x7, v18;
	v19 =	vand.u32 $0xFFFFFFF0, v19  }
0x1f7: {  	v18 =	vor.u32 v18, v19  }
0x1f8: {  	v19 =	vperm.xlane v18, v2;
	_ =	sdelay $0x1  }
0x1f9: {  	v20 =	vperm.xlane v18, v1;
	v19 =	vadd.s32 v3, v19;
	_ =	sdelay $0x1  }
0x1fa: {  	v21 =	vperm.xlane v18, v4;
	v20 =	vadd.s32 v3, v20;
	_ =	sdelay $0x1  }
0x1fb: {  	v22 =	vperm.xlane v18, v5;
	v21 =	vadd.s32 v3, v21  }
0x1fc: {  	[tilespmem:s12], [sflag:$0x1] =	stream.indirect_vreg.gather [hbm4b:s6+s3], $0x80, v19, vm0, $0xb8;
	[tilespmem:$0x1F000] =	vst v63  }
0x1fd: {  	s15 =	simm.s32 $0x6800;
	v47 =	vperm.xlane v18, v6;
	v19 =	vadd.s32 v3, v22  }
0x1fe: {  	[tilespmem:s15], [sflag:$0x1] =	stream.indirect_vreg.gather [hbm4b:s6+s3], $0x80, v20, vm0, $0xb8;
	[tilespmem:$0x1F000] =	vst v63  }
0x1ff: {  	v49 =	vperm.xlane v18, v7;
	v48 =	vadd.s32 v3, v47;
	s15 =	simm.s32 $0x6880  }
0x200: {  	[tilespmem:s15], [sflag:$0x1] =	stream.indirect_vreg.gather [hbm4b:s6+s3], $0x80, v21, vm0, $0xb8;
	[tilespmem:$0x1F000] =	vst v63  }
0x201: {  	v51 =	vperm.xlane v18, v8;
	v50 =	vadd.s32 v3, v49;
	s15 =	simm.s32 $0x6900  }
0x202: {  	[tilespmem:s15], [sflag:$0x1] =	stream.indirect_vreg.gather [hbm4b:s6+s3], $0x80, v19, vm0, $0xb8;
	[tilespmem:$0x1F000] =	vst v63  }
0x203: {  	v52 =	vperm.xlane v18, v0;
	v19 =	vadd.s32 v3, v51;
	s15 =	simm.s32 $0x6980  }
0x204: {  	[tilespmem:s15], [sflag:$0x1] =	stream.indirect_vreg.gather [hbm4b:s6+s3], $0x80, v48, vm0, $0xb8;
	[tilespmem:$0x1F000] =	vst v63  }
0x205: {  	v54 =	vperm.xlane v18, v9;
	v53 =	vadd.s32 v3, v52;
	s15 =	simm.s32 $0x6A00  }
0x206: {  	[tilespmem:s15], [sflag:$0x1] =	stream.indirect_vreg.gather [hbm4b:s6+s3], $0x80, v50, vm0, $0xb8;
	[tilespmem:$0x1F000] =	vst v63  }
0x207: {  	v56 =	vperm.xlane v18, v10;
	v55 =	vadd.s32 v3, v54;
	s15 =	simm.s32 $0x6A80  }
0x208: {  	[tilespmem:s15], [sflag:$0x1] =	stream.indirect_vreg.gather [hbm4b:s6+s3], $0x80, v19, vm0, $0xb8;
	[tilespmem:$0x1F000] =	vst v63  }
0x209: {  	v57 =	vperm.xlane v18, v11;
	v19 =	vadd.s32 v3, v56;
	s15 =	simm.s32 $0x6B00  }
0x20a: {  	[tilespmem:s15], [sflag:$0x1] =	stream.indirect_vreg.gather [hbm4b:s6+s3], $0x80, v53, vm0, $0xb8;
	[tilespmem:$0x1F000] =	vst v63  }
0x20b: {  	v59 =	vperm.xlane v18, v12;
	v58 =	vadd.s32 v3, v57;
	s15 =	simm.s32 $0x6B80  }
0x20c: {  	[tilespmem:s15], [sflag:$0x1] =	stream.indirect_vreg.gather [hbm4b:s6+s3], $0x80, v55, vm0, $0xb8;
	[tilespmem:$0x1F000] =	vst v63  }
0x20d: {  	v61 =	vperm.xlane v18, v13;
	v60 =	vadd.s32 v3, v59;
	s15 =	simm.s32 $0x6C00  }
0x20e: {  	[tilespmem:s15], [sflag:$0x1] =	stream.indirect_vreg.gather [hbm4b:s6+s3], $0x80, v19, vm0, $0xb8;
	[tilespmem:$0x1F000] =	vst v63  }
0x20f: {  	v62 =	vperm.xlane v18, v14;
	v19 =	vadd.s32 v3, v61;
	s15 =	simm.s32 $0x6C80  }
0x210: {  	[tilespmem:s15], [sflag:$0x1] =	stream.indirect_vreg.gather [hbm4b:s6+s3], $0x80, v58, vm0, $0xb8;
	[tilespmem:$0x1F000] =	vst v63  }
0x211: {  	v24 =	vperm.xlane v18, v15;
	v63 =	vadd.s32 v3, v62;
	s15 =	simm.s32 $0x6D00  }
0x212: {  	[tilespmem:s15], [sflag:$0x1] =	stream.indirect_vreg.gather [hbm4b:s6+s3], $0x80, v60, vm0, $0xb8;
	[tilespmem:$0x1F000] =	vst v63  }
0x213: {  	v18 =	vperm.xlane v18, v16;
	v25 =	vadd.s32 v3, v24;
	s15 =	simm.s32 $0x6D80  }
0x214: {  	[tilespmem:s15], [sflag:$0x1] =	stream.indirect_vreg.gather [hbm4b:s6+s3], $0x80, v19, vm0, $0xb8;
	[tilespmem:$0x1F000] =	vst v63  }
0x215: {  	v18 =	vadd.s32 v3, v18;
	s15 =	simm.s32 $0x6E00  }
0x216: {  	[tilespmem:s15], [sflag:$0x1] =	stream.indirect_vreg.gather [hbm4b:s6+s3], $0x80, v63, vm0, $0xb8;
	[tilespmem:$0x1F000] =	vst v63  }
0x217: {  	s15 =	simm.s32 $0x6E80  }
0x218: {  	[tilespmem:s15], [sflag:$0x1] =	stream.indirect_vreg.gather [hbm4b:s6+s3], $0x80, v25, vm0, $0xb8;
	[tilespmem:$0x1F000] =	vst v63  }
0x219: {  	s15 =	simm.s32 $0x6F00  }
0x21a: {  	[tilespmem:s15], [sflag:$0x1] =	stream.indirect_vreg.gather [hbm4b:s6+s3], $0x80, v18, vm0, $0xb8;
	[tilespmem:$0x1F000] =	vst v63  }
0x21b: {  	v18 =	vld [tilespmem:s14+$0xFFFFFF80];
	_ =	sdelay $0x4  }
0x21c: {  	v19 =	vshll.u32 v18, $0x1  }
0x21d: {  	v18 =	vand.u32 $0x7, v18;
	v19 =	vand.u32 $0xFFFFFFF0, v19  }
0x21e: {  	v18 =	vor.u32 v18, v19  }
0x21f: {  	v19 =	vperm.xlane v18, v2;
	_ =	sdelay $0x1  }
0x220: {  	v26 =	vperm.xlane v18, v1;
	v19 =	vadd.s32 v3, v19;
	_ =	sdelay $0x1  }
0x221: {  	v27 =	vperm.xlane v18, v4;
	v20 =	vadd.s32 v3, v26;
	_ =	sdelay $0x1  }
0x222: {  	v28 =	vperm.xlane v18, v5;
	v21 =	vadd.s32 v3, v27  }
0x223: {  	[tilespmem:s28], [sflag:$0x1] =	stream.indirect_vreg.gather [hbm4b:s6+s3], $0x80, v19, vm0, $0xb8;
	[tilespmem:$0x1F000] =	vst v63  }
0x224: {  	s15 =	simm.s32 $0x7000;
	v29 =	vperm.xlane v18, v6;
	v19 =	vadd.s32 v3, v28  }
0x225: {  	[tilespmem:s15], [sflag:$0x1] =	stream.indirect_vreg.gather [hbm4b:s6+s3], $0x80, v20, vm0, $0xb8;
	[tilespmem:$0x1F000] =	vst v63  }
0x226: {  	v31 =	vperm.xlane v18, v7;
	v30 =	vadd.s32 v3, v29  }
0x227: {  	[tilespmem:s16], [sflag:$0x1] =	stream.indirect_vreg.gather [hbm4b:s6+s3], $0x80, v21, vm0, $0xb8;
	[tilespmem:$0x1F000] =	vst v63  }
0x228: {  	v33 =	vperm.xlane v18, v8;
	v32 =	vadd.s32 v3, v31  }
0x229: {  	[tilespmem:s11], [sflag:$0x1] =	stream.indirect_vreg.gather [hbm4b:s6+s3], $0x80, v19, vm0, $0xb8;
	[tilespmem:$0x1F000] =	vst v63  }
0x22a: {  	v34 =	vperm.xlane v18, v0;
	v19 =	vadd.s32 v3, v33  }
0x22b: {  	[tilespmem:s23], [sflag:$0x1] =	stream.indirect_vreg.gather [hbm4b:s6+s3], $0x80, v30, vm0, $0xb8;
	[tilespmem:$0x1F000] =	vst v63  }
0x22c: {  	v36 =	vperm.xlane v18, v9;
	v35 =	vadd.s32 v3, v34  }
0x22d: {  	[tilespmem:s10], [sflag:$0x1] =	stream.indirect_vreg.gather [hbm4b:s6+s3], $0x80, v32, vm0, $0xb8;
	[tilespmem:$0x1F000] =	vst v63  }
0x22e: {  	v38 =	vperm.xlane v18, v10;
	v37 =	vadd.s32 v3, v36  }
0x22f: {  	[tilespmem:s19], [sflag:$0x1] =	stream.indirect_vreg.gather [hbm4b:s6+s3], $0x80, v19, vm0, $0xb8;
	[tilespmem:$0x1F000] =	vst v63  }
0x230: {  	v39 =	vperm.xlane v18, v11;
	v19 =	vadd.s32 v3, v38  }
0x231: {  	[tilespmem:s9], [sflag:$0x1] =	stream.indirect_vreg.gather [hbm4b:s6+s3], $0x80, v35, vm0, $0xb8;
	[tilespmem:$0x1F000] =	vst v63  }
0x232: {  	v41 =	vperm.xlane v18, v12;
	v40 =	vadd.s32 v3, v39  }
0x233: {  	[tilespmem:s29], [sflag:$0x1] =	stream.indirect_vreg.gather [hbm4b:s6+s3], $0x80, v37, vm0, $0xb8;
	[tilespmem:$0x1F000] =	vst v63  }
0x234: {  	v43 =	vperm.xlane v18, v13;
	v42 =	vadd.s32 v3, v41  }
0x235: {  	[tilespmem:s8], [sflag:$0x1] =	stream.indirect_vreg.gather [hbm4b:s6+s3], $0x80, v19, vm0, $0xb8;
	[tilespmem:$0x1F000] =	vst v63  }
0x236: {  	v44 =	vperm.xlane v18, v14;
	v19 =	vadd.s32 v3, v43  }
0x237: {  	[tilespmem:s0], [sflag:$0x1] =	stream.indirect_vreg.gather [hbm4b:s6+s3], $0x80, v40, vm0, $0xb8;
	[tilespmem:$0x1F000] =	vst v63  }
0x238: {  	v46 =	vperm.xlane v18, v15;
	v45 =	vadd.s32 v3, v44  }
0x239: {  	[tilespmem:s21], [sflag:$0x1] =	stream.indirect_vreg.gather [hbm4b:s6+s3], $0x80, v42, vm0, $0xb8;
	[tilespmem:$0x1F000] =	vst v63  }
0x23a: {  	v18 =	vperm.xlane v18, v16;
	v47 =	vadd.s32 v3, v46  }
0x23b: {  	[tilespmem:s25], [sflag:$0x1] =	stream.indirect_vreg.gather [hbm4b:s6+s3], $0x80, v19, vm0, $0xb8;
	[tilespmem:$0x1F000] =	vst v63  }
0x23c: {  	v18 =	vadd.s32 v3, v18  }
0x23d: {  	[tilespmem:s26], [sflag:$0x1] =	stream.indirect_vreg.gather [hbm4b:s6+s3], $0x80, v45, vm0, $0xb8;
	[tilespmem:$0x1F000] =	vst v63  }
0x23e: {  	_ = 	snop  }
0x23f: {  	[tilespmem:s24], [sflag:$0x1] =	stream.indirect_vreg.gather [hbm4b:s6+s3], $0x80, v47, vm0, $0xb8;
	[tilespmem:$0x1F000] =	vst v63  }
0x240: {  	_ = 	snop  }
0x241: {  	[tilespmem:s2], [sflag:$0x1] =	stream.indirect_vreg.gather [hbm4b:s6+s3], $0x80, v18, vm0, $0xb8;
	[tilespmem:$0x1F000] =	vst v63  }
0x242: {  	v18 =	vld [tilespmem:s14+$0xFFFFFF90];
	_ =	sdelay $0x4  }
0x243: {  	v19 =	vshll.u32 v18, $0x1  }
0x244: {  	v18 =	vand.u32 $0x7, v18;
	v19 =	vand.u32 $0xFFFFFFF0, v19  }
0x245: {  	v18 =	vor.u32 v18, v19  }
0x246: {  	v19 =	vperm.xlane v18, v2;
	_ =	sdelay $0x1  }
0x247: {  	v48 =	vperm.xlane v18, v1;
	v19 =	vadd.s32 v3, v19;
	_ =	sdelay $0x1  }
0x248: {  	v49 =	vperm.xlane v18, v4;
	v20 =	vadd.s32 v3, v48;
	_ =	sdelay $0x1  }
0x249: {  	v50 =	vperm.xlane v18, v5;
	v21 =	vadd.s32 v3, v49  }
0x24a: {  	[tilespmem:s7], [sflag:$0x1] =	stream.indirect_vreg.gather [hbm4b:s6+s3], $0x80, v19, vm0, $0xb8;
	[tilespmem:$0x1F000] =	vst v63  }
0x24b: {  	v51 =	vperm.xlane v18, v6;
	v19 =	vadd.s32 v3, v50  }
0x24c: {  	[tilespmem:s22], [sflag:$0x1] =	stream.indirect_vreg.gather [hbm4b:s6+s3], $0x80, v20, vm0, $0xb8;
	[tilespmem:$0x1F000] =	vst v63  }
0x24d: {  	v53 =	vperm.xlane v18, v7;
	v52 =	vadd.s32 v3, v51  }
0x24e: {  	[tilespmem:s17], [sflag:$0x1] =	stream.indirect_vreg.gather [hbm4b:s6+s3], $0x80, v21, vm0, $0xb8;
	[tilespmem:$0x1F000] =	vst v63  }
0x24f: {  	v55 =	vperm.xlane v18, v8;
	v54 =	vadd.s32 v3, v53;
	s17 =	simm.s32 $0x7900  }
0x250: {  	[tilespmem:s17], [sflag:$0x1] =	stream.indirect_vreg.gather [hbm4b:s6+s3], $0x80, v19, vm0, $0xb8;
	[tilespmem:$0x1F000] =	vst v63  }
0x251: {  	v56 =	vperm.xlane v18, v0;
	v19 =	vadd.s32 v3, v55;
	s17 =	simm.s32 $0x7980  }
0x252: {  	[tilespmem:s17], [sflag:$0x1] =	stream.indirect_vreg.gather [hbm4b:s6+s3], $0x80, v52, vm0, $0xb8;
	[tilespmem:$0x1F000] =	vst v63  }
0x253: {  	v58 =	vperm.xlane v18, v9;
	v57 =	vadd.s32 v3, v56;
	s17 =	simm.s32 $0x7A00  }
0x254: {  	[tilespmem:s17], [sflag:$0x1] =	stream.indirect_vreg.gather [hbm4b:s6+s3], $0x80, v54, vm0, $0xb8;
	[tilespmem:$0x1F000] =	vst v63  }
0x255: {  	v60 =	vperm.xlane v18, v10;
	v59 =	vadd.s32 v3, v58;
	s17 =	simm.s32 $0x7A80  }
0x256: {  	[tilespmem:s17], [sflag:$0x1] =	stream.indirect_vreg.gather [hbm4b:s6+s3], $0x80, v19, vm0, $0xb8;
	[tilespmem:$0x1F000] =	vst v63  }
0x257: {  	v61 =	vperm.xlane v18, v11;
	v19 =	vadd.s32 v3, v60;
	s17 =	simm.s32 $0x7B00  }
0x258: {  	[tilespmem:s17], [sflag:$0x1] =	stream.indirect_vreg.gather [hbm4b:s6+s3], $0x80, v57, vm0, $0xb8;
	[tilespmem:$0x1F000] =	vst v63  }
0x259: {  	v63 =	vperm.xlane v18, v12;
	v62 =	vadd.s32 v3, v61;
	s17 =	simm.s32 $0x7B80  }
0x25a: {  	[tilespmem:s17], [sflag:$0x1] =	stream.indirect_vreg.gather [hbm4b:s6+s3], $0x80, v59, vm0, $0xb8;
	[tilespmem:$0x1F000] =	vst v63  }
0x25b: {  	v25 =	vperm.xlane v18, v13;
	v24 =	vadd.s32 v3, v63;
	s17 =	simm.s32 $0x7C00  }
0x25c: {  	[tilespmem:s17], [sflag:$0x1] =	stream.indirect_vreg.gather [hbm4b:s6+s3], $0x80, v19, vm0, $0xb8;
	[tilespmem:$0x1F000] =	vst v63  }
0x25d: {  	v26 =	vperm.xlane v18, v14;
	v19 =	vadd.s32 v3, v25;
	s17 =	simm.s32 $0x7C80  }
0x25e: {  	[tilespmem:s17], [sflag:$0x1] =	stream.indirect_vreg.gather [hbm4b:s6+s3], $0x80, v62, vm0, $0xb8;
	[tilespmem:$0x1F000] =	vst v63  }
0x25f: {  	v28 =	vperm.xlane v18, v15;
	v27 =	vadd.s32 v3, v26;
	s17 =	simm.s32 $0x7D00  }
0x260: {  	[tilespmem:s17], [sflag:$0x1] =	stream.indirect_vreg.gather [hbm4b:s6+s3], $0x80, v24, vm0, $0xb8;
	[tilespmem:$0x1F000] =	vst v63  }
0x261: {  	v18 =	vperm.xlane v18, v16;
	v29 =	vadd.s32 v3, v28;
	s17 =	simm.s32 $0x7D80  }
0x262: {  	[tilespmem:s17], [sflag:$0x1] =	stream.indirect_vreg.gather [hbm4b:s6+s3], $0x80, v19, vm0, $0xb8;
	[tilespmem:$0x1F000] =	vst v63  }
0x263: {  	v18 =	vadd.s32 v3, v18;
	s17 =	simm.s32 $0x7E00  }
0x264: {  	[tilespmem:s17], [sflag:$0x1] =	stream.indirect_vreg.gather [hbm4b:s6+s3], $0x80, v27, vm0, $0xb8;
	[tilespmem:$0x1F000] =	vst v63  }
0x265: {  	s17 =	simm.s32 $0x7E80  }
0x266: {  	[tilespmem:s17], [sflag:$0x1] =	stream.indirect_vreg.gather [hbm4b:s6+s3], $0x80, v29, vm0, $0xb8;
	[tilespmem:$0x1F000] =	vst v63  }
0x267: {  	s17 =	simm.s32 $0x7F00  }
0x268: {  	[tilespmem:s17], [sflag:$0x1] =	stream.indirect_vreg.gather [hbm4b:s6+s3], $0x80, v18, vm0, $0xb8;
	[tilespmem:$0x1F000] =	vst v63  }
0x269: {  	v18 =	vld [tilespmem:s14+$0xFFFFFFA0];
	_ =	sdelay $0x4  }
0x26a: {  	v19 =	vshll.u32 v18, $0x1  }
0x26b: {  	v18 =	vand.u32 $0x7, v18;
	v19 =	vand.u32 $0xFFFFFFF0, v19  }
0x26c: {  	v18 =	vor.u32 v18, v19  }
0x26d: {  	v19 =	vperm.xlane v18, v2;
	_ =	sdelay $0x1  }
0x26e: {  	v30 =	vperm.xlane v18, v1;
	v19 =	vadd.s32 v3, v19;
	_ =	sdelay $0x1  }
0x26f: {  	v31 =	vperm.xlane v18, v4;
	v20 =	vadd.s32 v3, v30;
	_ =	sdelay $0x1  }
0x270: {  	s17 =	simm.s32 $0x7F80;
	v32 =	vperm.xlane v18, v5;
	v21 =	vadd.s32 v3, v31  }
0x271: {  	[tilespmem:s17], [sflag:$0x1] =	stream.indirect_vreg.gather [hbm4b:s6+s3], $0x80, v19, vm0, $0xb8;
	[tilespmem:$0x1F000] =	vst v63  }
0x272: {  	v33 =	vperm.xlane v18, v6;
	v19 =	vadd.s32 v3, v32;
	s17 =	simm.s32 $0x8000  }
0x273: {  	[tilespmem:s17], [sflag:$0x1] =	stream.indirect_vreg.gather [hbm4b:s6+s3], $0x80, v20, vm0, $0xb8;
	[tilespmem:$0x1F000] =	vst v63  }
0x274: {  	v35 =	vperm.xlane v18, v7;
	v34 =	vadd.s32 v3, v33;
	s17 =	simm.s32 $0x8080  }
0x275: {  	[tilespmem:s17], [sflag:$0x1] =	stream.indirect_vreg.gather [hbm4b:s6+s3], $0x80, v21, vm0, $0xb8;
	[tilespmem:$0x1F000] =	vst v63  }
0x276: {  	v37 =	vperm.xlane v18, v8;
	v36 =	vadd.s32 v3, v35;
	s17 =	simm.s32 $0x8100  }
0x277: {  	[tilespmem:s17], [sflag:$0x1] =	stream.indirect_vreg.gather [hbm4b:s6+s3], $0x80, v19, vm0, $0xb8;
	[tilespmem:$0x1F000] =	vst v63  }
0x278: {  	v38 =	vperm.xlane v18, v0;
	v19 =	vadd.s32 v3, v37;
	s17 =	simm.s32 $0x8180  }
0x279: {  	[tilespmem:s17], [sflag:$0x1] =	stream.indirect_vreg.gather [hbm4b:s6+s3], $0x80, v34, vm0, $0xb8;
	[tilespmem:$0x1F000] =	vst v63  }
0x27a: {  	v40 =	vperm.xlane v18, v9;
	v39 =	vadd.s32 v3, v38;
	s17 =	simm.s32 $0x8200  }
0x27b: {  	[tilespmem:s17], [sflag:$0x1] =	stream.indirect_vreg.gather [hbm4b:s6+s3], $0x80, v36, vm0, $0xb8;
	[tilespmem:$0x1F000] =	vst v63  }
0x27c: {  	v42 =	vperm.xlane v18, v10;
	v41 =	vadd.s32 v3, v40;
	s17 =	simm.s32 $0x8280  }
0x27d: {  	[tilespmem:s17], [sflag:$0x1] =	stream.indirect_vreg.gather [hbm4b:s6+s3], $0x80, v19, vm0, $0xb8;
	[tilespmem:$0x1F000] =	vst v63  }
0x27e: {  	v43 =	vperm.xlane v18, v11;
	v19 =	vadd.s32 v3, v42;
	s17 =	simm.s32 $0x8300  }
0x27f: {  	[tilespmem:s17], [sflag:$0x1] =	stream.indirect_vreg.gather [hbm4b:s6+s3], $0x80, v39, vm0, $0xb8;
	[tilespmem:$0x1F000] =	vst v63  }
0x280: {  	v45 =	vperm.xlane v18, v12;
	v44 =	vadd.s32 v3, v43;
	s17 =	simm.s32 $0x8380  }
0x281: {  	[tilespmem:s17], [sflag:$0x1] =	stream.indirect_vreg.gather [hbm4b:s6+s3], $0x80, v41, vm0, $0xb8;
	[tilespmem:$0x1F000] =	vst v63  }
0x282: {  	v47 =	vperm.xlane v18, v13;
	v46 =	vadd.s32 v3, v45;
	s17 =	simm.s32 $0x8400  }
0x283: {  	[tilespmem:s17], [sflag:$0x1] =	stream.indirect_vreg.gather [hbm4b:s6+s3], $0x80, v19, vm0, $0xb8;
	[tilespmem:$0x1F000] =	vst v63  }
0x284: {  	v48 =	vperm.xlane v18, v14;
	v19 =	vadd.s32 v3, v47;
	s17 =	simm.s32 $0x8480  }
0x285: {  	[tilespmem:s17], [sflag:$0x1] =	stream.indirect_vreg.gather [hbm4b:s6+s3], $0x80, v44, vm0, $0xb8;
	[tilespmem:$0x1F000] =	vst v63  }
0x286: {  	v50 =	vperm.xlane v18, v15;
	v49 =	vadd.s32 v3, v48;
	s17 =	simm.s32 $0x8500  }
0x287: {  	[tilespmem:s17], [sflag:$0x1] =	stream.indirect_vreg.gather [hbm4b:s6+s3], $0x80, v46, vm0, $0xb8;
	[tilespmem:$0x1F000] =	vst v63  }
0x288: {  	v18 =	vperm.xlane v18, v16;
	v51 =	vadd.s32 v3, v50;
	s17 =	simm.s32 $0x8580  }
0x289: {  	[tilespmem:s17], [sflag:$0x1] =	stream.indirect_vreg.gather [hbm4b:s6+s3], $0x80, v19, vm0, $0xb8;
	[tilespmem:$0x1F000] =	vst v63  }
0x28a: {  	v18 =	vadd.s32 v3, v18;
	s17 =	simm.s32 $0x8600  }
0x28b: {  	[tilespmem:s17], [sflag:$0x1] =	stream.indirect_vreg.gather [hbm4b:s6+s3], $0x80, v49, vm0, $0xb8;
	[tilespmem:$0x1F000] =	vst v63  }
0x28c: {  	s17 =	simm.s32 $0x8680  }
0x28d: {  	[tilespmem:s17], [sflag:$0x1] =	stream.indirect_vreg.gather [hbm4b:s6+s3], $0x80, v51, vm0, $0xb8;
	[tilespmem:$0x1F000] =	vst v63  }
0x28e: {  	s17 =	simm.s32 $0x8700  }
0x28f: {  	[tilespmem:s17], [sflag:$0x1] =	stream.indirect_vreg.gather [hbm4b:s6+s3], $0x80, v18, vm0, $0xb8;
	[tilespmem:$0x1F000] =	vst v63  }
0x290: {  	v18 =	vld [tilespmem:s14+$0xFFFFFFB0];
	_ =	sdelay $0x4  }
0x291: {  	v19 =	vshll.u32 v18, $0x1  }
0x292: {  	v18 =	vand.u32 $0x7, v18;
	v19 =	vand.u32 $0xFFFFFFF0, v19  }
0x293: {  	v18 =	vor.u32 v18, v19  }
0x294: {  	v19 =	vperm.xlane v18, v2;
	_ =	sdelay $0x1  }
0x295: {  	v52 =	vperm.xlane v18, v1;
	v19 =	vadd.s32 v3, v19;
	_ =	sdelay $0x1  }
0x296: {  	v53 =	vperm.xlane v18, v4;
	v20 =	vadd.s32 v3, v52;
	_ =	sdelay $0x1  }
0x297: {  	s17 =	simm.s32 $0x8780;
	v54 =	vperm.xlane v18, v5;
	v21 =	vadd.s32 v3, v53  }
0x298: {  	[tilespmem:s17], [sflag:$0x1] =	stream.indirect_vreg.gather [hbm4b:s6+s3], $0x80, v19, vm0, $0xb8;
	[tilespmem:$0x1F000] =	vst v63  }
0x299: {  	v55 =	vperm.xlane v18, v6;
	v19 =	vadd.s32 v3, v54;
	s17 =	simm.s32 $0x8800  }
0x29a: {  	[tilespmem:s17], [sflag:$0x1] =	stream.indirect_vreg.gather [hbm4b:s6+s3], $0x80, v20, vm0, $0xb8;
	[tilespmem:$0x1F000] =	vst v63  }
0x29b: {  	v57 =	vperm.xlane v18, v7;
	v56 =	vadd.s32 v3, v55;
	s17 =	simm.s32 $0x8880  }
0x29c: {  	[tilespmem:s17], [sflag:$0x1] =	stream.indirect_vreg.gather [hbm4b:s6+s3], $0x80, v21, vm0, $0xb8;
	[tilespmem:$0x1F000] =	vst v63  }
0x29d: {  	v59 =	vperm.xlane v18, v8;
	v58 =	vadd.s32 v3, v57;
	s17 =	simm.s32 $0x8900  }
0x29e: {  	[tilespmem:s17], [sflag:$0x1] =	stream.indirect_vreg.gather [hbm4b:s6+s3], $0x80, v19, vm0, $0xb8;
	[tilespmem:$0x1F000] =	vst v63  }
0x29f: {  	v60 =	vperm.xlane v18, v0;
	v19 =	vadd.s32 v3, v59;
	s17 =	simm.s32 $0x8980  }
0x2a0: {  	[tilespmem:s17], [sflag:$0x1] =	stream.indirect_vreg.gather [hbm4b:s6+s3], $0x80, v56, vm0, $0xb8;
	[tilespmem:$0x1F000] =	vst v63  }
0x2a1: {  	v62 =	vperm.xlane v18, v9;
	v61 =	vadd.s32 v3, v60;
	s17 =	simm.s32 $0x8A00  }
0x2a2: {  	[tilespmem:s17], [sflag:$0x1] =	stream.indirect_vreg.gather [hbm4b:s6+s3], $0x80, v58, vm0, $0xb8;
	[tilespmem:$0x1F000] =	vst v63  }
0x2a3: {  	v24 =	vperm.xlane v18, v10;
	v63 =	vadd.s32 v3, v62;
	s17 =	simm.s32 $0x8A80  }
0x2a4: {  	[tilespmem:s17], [sflag:$0x1] =	stream.indirect_vreg.gather [hbm4b:s6+s3], $0x80, v19, vm0, $0xb8;
	[tilespmem:$0x1F000] =	vst v63  }
0x2a5: {  	v25 =	vperm.xlane v18, v11;
	v19 =	vadd.s32 v3, v24;
	s17 =	simm.s32 $0x8B00  }
0x2a6: {  	[tilespmem:s17], [sflag:$0x1] =	stream.indirect_vreg.gather [hbm4b:s6+s3], $0x80, v61, vm0, $0xb8;
	[tilespmem:$0x1F000] =	vst v63  }
0x2a7: {  	v27 =	vperm.xlane v18, v12;
	v26 =	vadd.s32 v3, v25;
	s17 =	simm.s32 $0x8B80  }
0x2a8: {  	[tilespmem:s17], [sflag:$0x1] =	stream.indirect_vreg.gather [hbm4b:s6+s3], $0x80, v63, vm0, $0xb8;
	[tilespmem:$0x1F000] =	vst v63  }
0x2a9: {  	v29 =	vperm.xlane v18, v13;
	v28 =	vadd.s32 v3, v27;
	s17 =	simm.s32 $0x8C00  }
0x2aa: {  	[tilespmem:s17], [sflag:$0x1] =	stream.indirect_vreg.gather [hbm4b:s6+s3], $0x80, v19, vm0, $0xb8;
	[tilespmem:$0x1F000] =	vst v63  }
0x2ab: {  	v30 =	vperm.xlane v18, v14;
	v19 =	vadd.s32 v3, v29;
	s17 =	simm.s32 $0x8C80  }
0x2ac: {  	[tilespmem:s17], [sflag:$0x1] =	stream.indirect_vreg.gather [hbm4b:s6+s3], $0x80, v26, vm0, $0xb8;
	[tilespmem:$0x1F000] =	vst v63  }
0x2ad: {  	v32 =	vperm.xlane v18, v15;
	v31 =	vadd.s32 v3, v30;
	s17 =	simm.s32 $0x8D00  }
0x2ae: {  	[tilespmem:s17], [sflag:$0x1] =	stream.indirect_vreg.gather [hbm4b:s6+s3], $0x80, v28, vm0, $0xb8;
	[tilespmem:$0x1F000] =	vst v63  }
0x2af: {  	v18 =	vperm.xlane v18, v16;
	v33 =	vadd.s32 v3, v32;
	s17 =	simm.s32 $0x8D80  }
0x2b0: {  	[tilespmem:s17], [sflag:$0x1] =	stream.indirect_vreg.gather [hbm4b:s6+s3], $0x80, v19, vm0, $0xb8;
	[tilespmem:$0x1F000] =	vst v63  }
0x2b1: {  	v18 =	vadd.s32 v3, v18;
	s17 =	simm.s32 $0x8E00  }
0x2b2: {  	[tilespmem:s17], [sflag:$0x1] =	stream.indirect_vreg.gather [hbm4b:s6+s3], $0x80, v31, vm0, $0xb8;
	[tilespmem:$0x1F000] =	vst v63  }
0x2b3: {  	s17 =	simm.s32 $0x8E80  }
0x2b4: {  	[tilespmem:s17], [sflag:$0x1] =	stream.indirect_vreg.gather [hbm4b:s6+s3], $0x80, v33, vm0, $0xb8;
	[tilespmem:$0x1F000] =	vst v63  }
0x2b5: {  	s17 =	simm.s32 $0x8F00  }
0x2b6: {  	[tilespmem:s17], [sflag:$0x1] =	stream.indirect_vreg.gather [hbm4b:s6+s3], $0x80, v18, vm0, $0xb8;
	[tilespmem:$0x1F000] =	vst v63  }
0x2b7: {  	_ =	swait.ge [sflag:s13], $0x2800  }
0x2b8: {  	[sflag:s13] =	ssyncset.done $0x0  }
0x2b9: {  	s28 =	sshra.s32 s18, $0x2;
	[sflag:s13] =	ssyncadd.s32 $0xFFFFD800  }
0x2ba: {  	s15 =	sadd.s32 $0x6500, s28;
	s17 =	rddreg [dreg:$0x4]  }
0x2bb: {  	[spmem:s17] =	stream.indirect.scatter.add.f32 [tilespmem:s31], [sflag:$0x4], $0x80, s15, s5, $0xb8;
	[tilespmem:$0x1F000] =	vst v63  }
0x2bc: {  	_ =	swait.ge [sflag:s20], $0x2800  }
0x2bd: {  	[sflag:s20] =	ssyncset.done $0x0  }
0x2be: {  	[sflag:s20] =	ssyncadd.s32 $0xFFFFD800  }
0x2bf: {  	v18 =	vld [tilespmem:s14+$0xFFFFFFC0];
	_ =	sdelay $0x4  }
0x2c0: {  	v19 =	vshll.u32 v18, $0x1  }
0x2c1: {  	v18 =	vand.u32 $0x7, v18;
	v19 =	vand.u32 $0xFFFFFFF0, v19  }
0x2c2: {  	v18 =	vor.u32 v18, v19  }
0x2c3: {  	v19 =	vperm.xlane v18, v2;
	_ =	sdelay $0x1  }
0x2c4: {  	v34 =	vperm.xlane v18, v1;
	v19 =	vadd.s32 v3, v19;
	_ =	sdelay $0x1  }
0x2c5: {  	v35 =	vperm.xlane v18, v4;
	v20 =	vadd.s32 v3, v34;
	_ =	sdelay $0x1  }
0x2c6: {  	v36 =	vperm.xlane v18, v5;
	v21 =	vadd.s32 v3, v35  }
0x2c7: {  	[tilespmem:s31], [sflag:$0x2] =	stream.indirect_vreg.gather [hbm4b:s6+s3], $0x80, v19, vm0, $0xb8;
	[tilespmem:$0x1F000] =	vst v63  }
0x2c8: {  	s17 =	simm.s32 $0x9000;
	v37 =	vperm.xlane v18, v6;
	v19 =	vadd.s32 v3, v36  }
0x2c9: {  	[tilespmem:s17], [sflag:$0x2] =	stream.indirect_vreg.gather [hbm4b:s6+s3], $0x80, v20, vm0, $0xb8;
	[tilespmem:$0x1F000] =	vst v63  }
0x2ca: {  	v39 =	vperm.xlane v18, v7;
	v38 =	vadd.s32 v3, v37;
	s17 =	simm.s32 $0x9080  }
0x2cb: {  	[tilespmem:s17], [sflag:$0x2] =	stream.indirect_vreg.gather [hbm4b:s6+s3], $0x80, v21, vm0, $0xb8;
	[tilespmem:$0x1F000] =	vst v63  }
0x2cc: {  	v41 =	vperm.xlane v18, v8;
	v40 =	vadd.s32 v3, v39;
	s17 =	simm.s32 $0x9100  }
0x2cd: {  	[tilespmem:s17], [sflag:$0x2] =	stream.indirect_vreg.gather [hbm4b:s6+s3], $0x80, v19, vm0, $0xb8;
	[tilespmem:$0x1F000] =	vst v63  }
0x2ce: {  	v42 =	vperm.xlane v18, v0;
	v19 =	vadd.s32 v3, v41;
	s17 =	simm.s32 $0x9180  }
0x2cf: {  	[tilespmem:s17], [sflag:$0x2] =	stream.indirect_vreg.gather [hbm4b:s6+s3], $0x80, v38, vm0, $0xb8;
	[tilespmem:$0x1F000] =	vst v63  }
0x2d0: {  	v44 =	vperm.xlane v18, v9;
	v43 =	vadd.s32 v3, v42;
	s17 =	simm.s32 $0x9200  }
0x2d1: {  	[tilespmem:s17], [sflag:$0x2] =	stream.indirect_vreg.gather [hbm4b:s6+s3], $0x80, v40, vm0, $0xb8;
	[tilespmem:$0x1F000] =	vst v63  }
0x2d2: {  	v46 =	vperm.xlane v18, v10;
	v45 =	vadd.s32 v3, v44;
	s17 =	simm.s32 $0x9280  }
0x2d3: {  	[tilespmem:s17], [sflag:$0x2] =	stream.indirect_vreg.gather [hbm4b:s6+s3], $0x80, v19, vm0, $0xb8;
	[tilespmem:$0x1F000] =	vst v63  }
0x2d4: {  	v47 =	vperm.xlane v18, v11;
	v19 =	vadd.s32 v3, v46;
	s17 =	simm.s32 $0x9300  }
0x2d5: {  	[tilespmem:s17], [sflag:$0x2] =	stream.indirect_vreg.gather [hbm4b:s6+s3], $0x80, v43, vm0, $0xb8;
	[tilespmem:$0x1F000] =	vst v63  }
0x2d6: {  	v49 =	vperm.xlane v18, v12;
	v48 =	vadd.s32 v3, v47;
	s17 =	simm.s32 $0x9380  }
0x2d7: {  	[tilespmem:s17], [sflag:$0x2] =	stream.indirect_vreg.gather [hbm4b:s6+s3], $0x80, v45, vm0, $0xb8;
	[tilespmem:$0x1F000] =	vst v63  }
0x2d8: {  	v51 =	vperm.xlane v18, v13;
	v50 =	vadd.s32 v3, v49;
	s17 =	simm.s32 $0x9400  }
0x2d9: {  	[tilespmem:s17], [sflag:$0x2] =	stream.indirect_vreg.gather [hbm4b:s6+s3], $0x80, v19, vm0, $0xb8;
	[tilespmem:$0x1F000] =	vst v63  }
0x2da: {  	v52 =	vperm.xlane v18, v14;
	v19 =	vadd.s32 v3, v51;
	s17 =	simm.s32 $0x9480  }
0x2db: {  	[tilespmem:s17], [sflag:$0x2] =	stream.indirect_vreg.gather [hbm4b:s6+s3], $0x80, v48, vm0, $0xb8;
	[tilespmem:$0x1F000] =	vst v63  }
0x2dc: {  	v54 =	vperm.xlane v18, v15;
	v53 =	vadd.s32 v3, v52;
	s17 =	simm.s32 $0x9500  }
0x2dd: {  	[tilespmem:s17], [sflag:$0x2] =	stream.indirect_vreg.gather [hbm4b:s6+s3], $0x80, v50, vm0, $0xb8;
	[tilespmem:$0x1F000] =	vst v63  }
0x2de: {  	v18 =	vperm.xlane v18, v16;
	v55 =	vadd.s32 v3, v54;
	s17 =	simm.s32 $0x9580  }
0x2df: {  	[tilespmem:s17], [sflag:$0x2] =	stream.indirect_vreg.gather [hbm4b:s6+s3], $0x80, v19, vm0, $0xb8;
	[tilespmem:$0x1F000] =	vst v63  }
0x2e0: {  	v18 =	vadd.s32 v3, v18;
	s17 =	simm.s32 $0x9600  }
0x2e1: {  	[tilespmem:s17], [sflag:$0x2] =	stream.indirect_vreg.gather [hbm4b:s6+s3], $0x80, v53, vm0, $0xb8;
	[tilespmem:$0x1F000] =	vst v63  }
0x2e2: {  	s17 =	simm.s32 $0x9680  }
0x2e3: {  	[tilespmem:s17], [sflag:$0x2] =	stream.indirect_vreg.gather [hbm4b:s6+s3], $0x80, v55, vm0, $0xb8;
	[tilespmem:$0x1F000] =	vst v63  }
0x2e4: {  	s17 =	simm.s32 $0x9700  }
0x2e5: {  	[tilespmem:s17], [sflag:$0x2] =	stream.indirect_vreg.gather [hbm4b:s6+s3], $0x80, v18, vm0, $0xb8;
	[tilespmem:$0x1F000] =	vst v63  }
0x2e6: {  	v18 =	vld [tilespmem:s14+$0xFFFFFFD0];
	_ =	sdelay $0x4  }
0x2e7: {  	v19 =	vshll.u32 v18, $0x1  }
0x2e8: {  	v18 =	vand.u32 $0x7, v18;
	v19 =	vand.u32 $0xFFFFFFF0, v19  }
0x2e9: {  	v18 =	vor.u32 v18, v19  }
0x2ea: {  	v19 =	vperm.xlane v18, v2;
	_ =	sdelay $0x1  }
0x2eb: {  	v56 =	vperm.xlane v18, v1;
	v19 =	vadd.s32 v3, v19;
	_ =	sdelay $0x1  }
0x2ec: {  	v57 =	vperm.xlane v18, v4;
	v20 =	vadd.s32 v3, v56;
	_ =	sdelay $0x1  }
0x2ed: {  	s17 =	simm.s32 $0x9780;
	v58 =	vperm.xlane v18, v5;
	v21 =	vadd.s32 v3, v57  }
0x2ee: {  	[tilespmem:s17], [sflag:$0x2] =	stream.indirect_vreg.gather [hbm4b:s6+s3], $0x80, v19, vm0, $0xb8;
	[tilespmem:$0x1F000] =	vst v63  }
0x2ef: {  	v59 =	vperm.xlane v18, v6;
	v19 =	vadd.s32 v3, v58;
	s17 =	simm.s32 $0x9800  }
0x2f0: {  	[tilespmem:s17], [sflag:$0x2] =	stream.indirect_vreg.gather [hbm4b:s6+s3], $0x80, v20, vm0, $0xb8;
	[tilespmem:$0x1F000] =	vst v63  }
0x2f1: {  	v61 =	vperm.xlane v18, v7;
	v60 =	vadd.s32 v3, v59;
	s17 =	simm.s32 $0x9880  }
0x2f2: {  	[tilespmem:s17], [sflag:$0x2] =	stream.indirect_vreg.gather [hbm4b:s6+s3], $0x80, v21, vm0, $0xb8;
	[tilespmem:$0x1F000] =	vst v63  }
0x2f3: {  	v63 =	vperm.xlane v18, v8;
	v62 =	vadd.s32 v3, v61;
	s17 =	simm.s32 $0x9900  }
0x2f4: {  	[tilespmem:s17], [sflag:$0x2] =	stream.indirect_vreg.gather [hbm4b:s6+s3], $0x80, v19, vm0, $0xb8;
	[tilespmem:$0x1F000] =	vst v63  }
0x2f5: {  	v24 =	vperm.xlane v18, v0;
	v19 =	vadd.s32 v3, v63;
	s17 =	simm.s32 $0x9980  }
0x2f6: {  	[tilespmem:s17], [sflag:$0x2] =	stream.indirect_vreg.gather [hbm4b:s6+s3], $0x80, v60, vm0, $0xb8;
	[tilespmem:$0x1F000] =	vst v63  }
0x2f7: {  	v26 =	vperm.xlane v18, v9;
	v25 =	vadd.s32 v3, v24;
	s17 =	simm.s32 $0x9A00  }
0x2f8: {  	[tilespmem:s17], [sflag:$0x2] =	stream.indirect_vreg.gather [hbm4b:s6+s3], $0x80, v62, vm0, $0xb8;
	[tilespmem:$0x1F000] =	vst v63  }
0x2f9: {  	v28 =	vperm.xlane v18, v10;
	v27 =	vadd.s32 v3, v26;
	s17 =	simm.s32 $0x9A80  }
0x2fa: {  	[tilespmem:s17], [sflag:$0x2] =	stream.indirect_vreg.gather [hbm4b:s6+s3], $0x80, v19, vm0, $0xb8;
	[tilespmem:$0x1F000] =	vst v63  }
0x2fb: {  	v29 =	vperm.xlane v18, v11;
	v19 =	vadd.s32 v3, v28;
	s17 =	simm.s32 $0x9B00  }
0x2fc: {  	[tilespmem:s17], [sflag:$0x2] =	stream.indirect_vreg.gather [hbm4b:s6+s3], $0x80, v25, vm0, $0xb8;
	[tilespmem:$0x1F000] =	vst v63  }
0x2fd: {  	v31 =	vperm.xlane v18, v12;
	v30 =	vadd.s32 v3, v29;
	s17 =	simm.s32 $0x9B80  }
0x2fe: {  	[tilespmem:s17], [sflag:$0x2] =	stream.indirect_vreg.gather [hbm4b:s6+s3], $0x80, v27, vm0, $0xb8;
	[tilespmem:$0x1F000] =	vst v63  }
0x2ff: {  	v33 =	vperm.xlane v18, v13;
	v32 =	vadd.s32 v3, v31;
	s17 =	simm.s32 $0x9C00  }
0x300: {  	[tilespmem:s17], [sflag:$0x2] =	stream.indirect_vreg.gather [hbm4b:s6+s3], $0x80, v19, vm0, $0xb8;
	[tilespmem:$0x1F000] =	vst v63  }
0x301: {  	v34 =	vperm.xlane v18, v14;
	v19 =	vadd.s32 v3, v33;
	s17 =	simm.s32 $0x9C80  }
0x302: {  	[tilespmem:s17], [sflag:$0x2] =	stream.indirect_vreg.gather [hbm4b:s6+s3], $0x80, v30, vm0, $0xb8;
	[tilespmem:$0x1F000] =	vst v63  }
0x303: {  	v36 =	vperm.xlane v18, v15;
	v35 =	vadd.s32 v3, v34;
	s17 =	simm.s32 $0x9D00  }
0x304: {  	[tilespmem:s17], [sflag:$0x2] =	stream.indirect_vreg.gather [hbm4b:s6+s3], $0x80, v32, vm0, $0xb8;
	[tilespmem:$0x1F000] =	vst v63  }
0x305: {  	v18 =	vperm.xlane v18, v16;
	v37 =	vadd.s32 v3, v36;
	s17 =	simm.s32 $0x9D80  }
0x306: {  	[tilespmem:s17], [sflag:$0x2] =	stream.indirect_vreg.gather [hbm4b:s6+s3], $0x80, v19, vm0, $0xb8;
	[tilespmem:$0x1F000] =	vst v63  }
0x307: {  	v18 =	vadd.s32 v3, v18;
	s17 =	simm.s32 $0x9E00  }
0x308: {  	[tilespmem:s17], [sflag:$0x2] =	stream.indirect_vreg.gather [hbm4b:s6+s3], $0x80, v35, vm0, $0xb8;
	[tilespmem:$0x1F000] =	vst v63  }
0x309: {  	s17 =	simm.s32 $0x9E80  }
0x30a: {  	[tilespmem:s17], [sflag:$0x2] =	stream.indirect_vreg.gather [hbm4b:s6+s3], $0x80, v37, vm0, $0xb8;
	[tilespmem:$0x1F000] =	vst v63  }
0x30b: {  	s17 =	simm.s32 $0x9F00  }
0x30c: {  	[tilespmem:s17], [sflag:$0x2] =	stream.indirect_vreg.gather [hbm4b:s6+s3], $0x80, v18, vm0, $0xb8;
	[tilespmem:$0x1F000] =	vst v63  }
0x30d: {  	v18 =	vld [tilespmem:s14+$0xFFFFFFE0];
	_ =	sdelay $0x4  }
0x30e: {  	v19 =	vshll.u32 v18, $0x1  }
0x30f: {  	v18 =	vand.u32 $0x7, v18;
	v19 =	vand.u32 $0xFFFFFFF0, v19  }
0x310: {  	v18 =	vor.u32 v18, v19  }
0x311: {  	v19 =	vperm.xlane v18, v2;
	_ =	sdelay $0x1  }
0x312: {  	v38 =	vperm.xlane v18, v1;
	v19 =	vadd.s32 v3, v19;
	_ =	sdelay $0x1  }
0x313: {  	v39 =	vperm.xlane v18, v4;
	v20 =	vadd.s32 v3, v38;
	_ =	sdelay $0x1  }
0x314: {  	s17 =	simm.s32 $0x9F80;
	v40 =	vperm.xlane v18, v5;
	v21 =	vadd.s32 v3, v39  }
0x315: {  	[tilespmem:s17], [sflag:$0x2] =	stream.indirect_vreg.gather [hbm4b:s6+s3], $0x80, v19, vm0, $0xb8;
	[tilespmem:$0x1F000] =	vst v63  }
0x316: {  	v41 =	vperm.xlane v18, v6;
	v19 =	vadd.s32 v3, v40;
	s17 =	simm.s32 $0xA000  }
0x317: {  	[tilespmem:s17], [sflag:$0x2] =	stream.indirect_vreg.gather [hbm4b:s6+s3], $0x80, v20, vm0, $0xb8;
	[tilespmem:$0x1F000] =	vst v63  }
0x318: {  	v43 =	vperm.xlane v18, v7;
	v42 =	vadd.s32 v3, v41;
	s17 =	simm.s32 $0xA080  }
0x319: {  	[tilespmem:s17], [sflag:$0x2] =	stream.indirect_vreg.gather [hbm4b:s6+s3], $0x80, v21, vm0, $0xb8;
	[tilespmem:$0x1F000] =	vst v63  }
0x31a: {  	v45 =	vperm.xlane v18, v8;
	v44 =	vadd.s32 v3, v43;
	s17 =	simm.s32 $0xA100  }
0x31b: {  	[tilespmem:s17], [sflag:$0x2] =	stream.indirect_vreg.gather [hbm4b:s6+s3], $0x80, v19, vm0, $0xb8;
	[tilespmem:$0x1F000] =	vst v63  }
0x31c: {  	v46 =	vperm.xlane v18, v0;
	v19 =	vadd.s32 v3, v45;
	s17 =	simm.s32 $0xA180  }
0x31d: {  	[tilespmem:s17], [sflag:$0x2] =	stream.indirect_vreg.gather [hbm4b:s6+s3], $0x80, v42, vm0, $0xb8;
	[tilespmem:$0x1F000] =	vst v63  }
0x31e: {  	v48 =	vperm.xlane v18, v9;
	v47 =	vadd.s32 v3, v46;
	s17 =	simm.s32 $0xA200  }
0x31f: {  	[tilespmem:s17], [sflag:$0x2] =	stream.indirect_vreg.gather [hbm4b:s6+s3], $0x80, v44, vm0, $0xb8;
	[tilespmem:$0x1F000] =	vst v63  }
0x320: {  	v50 =	vperm.xlane v18, v10;
	v49 =	vadd.s32 v3, v48;
	s17 =	simm.s32 $0xA280  }
0x321: {  	[tilespmem:s17], [sflag:$0x2] =	stream.indirect_vreg.gather [hbm4b:s6+s3], $0x80, v19, vm0, $0xb8;
	[tilespmem:$0x1F000] =	vst v63  }
0x322: {  	v51 =	vperm.xlane v18, v11;
	v19 =	vadd.s32 v3, v50;
	s17 =	simm.s32 $0xA300  }
0x323: {  	[tilespmem:s17], [sflag:$0x2] =	stream.indirect_vreg.gather [hbm4b:s6+s3], $0x80, v47, vm0, $0xb8;
	[tilespmem:$0x1F000] =	vst v63  }
0x324: {  	v53 =	vperm.xlane v18, v12;
	v52 =	vadd.s32 v3, v51;
	s17 =	simm.s32 $0xA380  }
0x325: {  	[tilespmem:s17], [sflag:$0x2] =	stream.indirect_vreg.gather [hbm4b:s6+s3], $0x80, v49, vm0, $0xb8;
	[tilespmem:$0x1F000] =	vst v63  }
0x326: {  	v55 =	vperm.xlane v18, v13;
	v54 =	vadd.s32 v3, v53;
	s17 =	simm.s32 $0xA400  }
0x327: {  	[tilespmem:s17], [sflag:$0x2] =	stream.indirect_vreg.gather [hbm4b:s6+s3], $0x80, v19, vm0, $0xb8;
	[tilespmem:$0x1F000] =	vst v63  }
0x328: {  	v56 =	vperm.xlane v18, v14;
	v19 =	vadd.s32 v3, v55;
	s17 =	simm.s32 $0xA480  }
0x329: {  	[tilespmem:s17], [sflag:$0x2] =	stream.indirect_vreg.gather [hbm4b:s6+s3], $0x80, v52, vm0, $0xb8;
	[tilespmem:$0x1F000] =	vst v63  }
0x32a: {  	v58 =	vperm.xlane v18, v15;
	v57 =	vadd.s32 v3, v56;
	s17 =	simm.s32 $0xA500  }
0x32b: {  	[tilespmem:s17], [sflag:$0x2] =	stream.indirect_vreg.gather [hbm4b:s6+s3], $0x80, v54, vm0, $0xb8;
	[tilespmem:$0x1F000] =	vst v63  }
0x32c: {  	v18 =	vperm.xlane v18, v16;
	v59 =	vadd.s32 v3, v58;
	s17 =	simm.s32 $0xA580  }
0x32d: {  	[tilespmem:s17], [sflag:$0x2] =	stream.indirect_vreg.gather [hbm4b:s6+s3], $0x80, v19, vm0, $0xb8;
	[tilespmem:$0x1F000] =	vst v63  }
0x32e: {  	v18 =	vadd.s32 v3, v18;
	s17 =	simm.s32 $0xA600  }
0x32f: {  	[tilespmem:s17], [sflag:$0x2] =	stream.indirect_vreg.gather [hbm4b:s6+s3], $0x80, v57, vm0, $0xb8;
	[tilespmem:$0x1F000] =	vst v63  }
0x330: {  	s17 =	simm.s32 $0xA680  }
0x331: {  	[tilespmem:s17], [sflag:$0x2] =	stream.indirect_vreg.gather [hbm4b:s6+s3], $0x80, v59, vm0, $0xb8;
	[tilespmem:$0x1F000] =	vst v63  }
0x332: {  	s17 =	simm.s32 $0xA700  }
0x333: {  	[tilespmem:s17], [sflag:$0x2] =	stream.indirect_vreg.gather [hbm4b:s6+s3], $0x80, v18, vm0, $0xb8;
	[tilespmem:$0x1F000] =	vst v63  }
0x334: {  	v18 =	vld [tilespmem:s14+$0xFFFFFFF0];
	_ =	sdelay $0x4  }
0x335: {  	v19 =	vshll.u32 v18, $0x1  }
0x336: {  	v18 =	vand.u32 $0x7, v18;
	v19 =	vand.u32 $0xFFFFFFF0, v19  }
0x337: {  	v18 =	vor.u32 v18, v19  }
0x338: {  	v19 =	vperm.xlane v18, v2;
	_ =	sdelay $0x1  }
0x339: {  	v60 =	vperm.xlane v18, v1;
	v19 =	vadd.s32 v3, v19;
	_ =	sdelay $0x1  }
0x33a: {  	v61 =	vperm.xlane v18, v4;
	v20 =	vadd.s32 v3, v60;
	_ =	sdelay $0x1  }
0x33b: {  	s17 =	simm.s32 $0xA780;
	v62 =	vperm.xlane v18, v5;
	v21 =	vadd.s32 v3, v61  }
0x33c: {  	[tilespmem:s17], [sflag:$0x2] =	stream.indirect_vreg.gather [hbm4b:s6+s3], $0x80, v19, vm0, $0xb8;
	[tilespmem:$0x1F000] =	vst v63  }
0x33d: {  	v63 =	vperm.xlane v18, v6;
	v19 =	vadd.s32 v3, v62;
	s17 =	simm.s32 $0xA800  }
0x33e: {  	[tilespmem:s17], [sflag:$0x2] =	stream.indirect_vreg.gather [hbm4b:s6+s3], $0x80, v20, vm0, $0xb8;
	[tilespmem:$0x1F000] =	vst v63  }
0x33f: {  	v25 =	vperm.xlane v18, v7;
	v24 =	vadd.s32 v3, v63;
	s17 =	simm.s32 $0xA880  }
0x340: {  	[tilespmem:s17], [sflag:$0x2] =	stream.indirect_vreg.gather [hbm4b:s6+s3], $0x80, v21, vm0, $0xb8;
	[tilespmem:$0x1F000] =	vst v63  }
0x341: {  	v27 =	vperm.xlane v18, v8;
	v26 =	vadd.s32 v3, v25;
	s17 =	simm.s32 $0xA900  }
0x342: {  	[tilespmem:s17], [sflag:$0x2] =	stream.indirect_vreg.gather [hbm4b:s6+s3], $0x80, v19, vm0, $0xb8;
	[tilespmem:$0x1F000] =	vst v63  }
0x343: {  	v28 =	vperm.xlane v18, v0;
	v19 =	vadd.s32 v3, v27;
	s17 =	simm.s32 $0xA980  }
0x344: {  	[tilespmem:s17], [sflag:$0x2] =	stream.indirect_vreg.gather [hbm4b:s6+s3], $0x80, v24, vm0, $0xb8;
	[tilespmem:$0x1F000] =	vst v63  }
0x345: {  	v30 =	vperm.xlane v18, v9;
	v29 =	vadd.s32 v3, v28;
	s17 =	simm.s32 $0xAA00  }
0x346: {  	[tilespmem:s17], [sflag:$0x2] =	stream.indirect_vreg.gather [hbm4b:s6+s3], $0x80, v26, vm0, $0xb8;
	[tilespmem:$0x1F000] =	vst v63  }
0x347: {  	v32 =	vperm.xlane v18, v10;
	v31 =	vadd.s32 v3, v30;
	s17 =	simm.s32 $0xAA80  }
0x348: {  	[tilespmem:s17], [sflag:$0x2] =	stream.indirect_vreg.gather [hbm4b:s6+s3], $0x80, v19, vm0, $0xb8;
	[tilespmem:$0x1F000] =	vst v63  }
0x349: {  	v33 =	vperm.xlane v18, v11;
	v19 =	vadd.s32 v3, v32;
	s17 =	simm.s32 $0xAB00  }
0x34a: {  	[tilespmem:s17], [sflag:$0x2] =	stream.indirect_vreg.gather [hbm4b:s6+s3], $0x80, v29, vm0, $0xb8;
	[tilespmem:$0x1F000] =	vst v63  }
0x34b: {  	v35 =	vperm.xlane v18, v12;
	v34 =	vadd.s32 v3, v33;
	s17 =	simm.s32 $0xAB80  }
0x34c: {  	[tilespmem:s17], [sflag:$0x2] =	stream.indirect_vreg.gather [hbm4b:s6+s3], $0x80, v31, vm0, $0xb8;
	[tilespmem:$0x1F000] =	vst v63  }
0x34d: {  	v37 =	vperm.xlane v18, v13;
	v36 =	vadd.s32 v3, v35;
	s17 =	simm.s32 $0xAC00  }
0x34e: {  	[tilespmem:s17], [sflag:$0x2] =	stream.indirect_vreg.gather [hbm4b:s6+s3], $0x80, v19, vm0, $0xb8;
	[tilespmem:$0x1F000] =	vst v63  }
0x34f: {  	v38 =	vperm.xlane v18, v14;
	v19 =	vadd.s32 v3, v37;
	s17 =	simm.s32 $0xAC80  }
0x350: {  	[tilespmem:s17], [sflag:$0x2] =	stream.indirect_vreg.gather [hbm4b:s6+s3], $0x80, v34, vm0, $0xb8;
	[tilespmem:$0x1F000] =	vst v63  }
0x351: {  	v40 =	vperm.xlane v18, v15;
	v39 =	vadd.s32 v3, v38;
	s17 =	simm.s32 $0xAD00  }
0x352: {  	[tilespmem:s17], [sflag:$0x2] =	stream.indirect_vreg.gather [hbm4b:s6+s3], $0x80, v36, vm0, $0xb8;
	[tilespmem:$0x1F000] =	vst v63  }
0x353: {  	v18 =	vperm.xlane v18, v16;
	v41 =	vadd.s32 v3, v40;
	s17 =	simm.s32 $0xAD80  }
0x354: {  	[tilespmem:s17], [sflag:$0x2] =	stream.indirect_vreg.gather [hbm4b:s6+s3], $0x80, v19, vm0, $0xb8;
	[tilespmem:$0x1F000] =	vst v63  }
0x355: {  	v18 =	vadd.s32 v3, v18;
	s17 =	simm.s32 $0xAE00  }
0x356: {  	[tilespmem:s17], [sflag:$0x2] =	stream.indirect_vreg.gather [hbm4b:s6+s3], $0x80, v39, vm0, $0xb8;
	[tilespmem:$0x1F000] =	vst v63  }
0x357: {  	s17 =	simm.s32 $0xAE80  }
0x358: {  	[tilespmem:s17], [sflag:$0x2] =	stream.indirect_vreg.gather [hbm4b:s6+s3], $0x80, v41, vm0, $0xb8;
	[tilespmem:$0x1F000] =	vst v63  }
0x359: {  	s17 =	simm.s32 $0xAF00  }
0x35a: {  	[tilespmem:s17], [sflag:$0x2] =	stream.indirect_vreg.gather [hbm4b:s6+s3], $0x80, v18, vm0, $0xb8;
	[tilespmem:$0x1F000] =	vst v63  }
0x35b: {  	v18 =	vld [tilespmem:s14+$0x0];
	_ =	sdelay $0x4  }
0x35c: {  	v19 =	vshll.u32 v18, $0x1  }
0x35d: {  	v18 =	vand.u32 $0x7, v18;
	v19 =	vand.u32 $0xFFFFFFF0, v19  }
0x35e: {  	v18 =	vor.u32 v18, v19  }
0x35f: {  	v19 =	vperm.xlane v18, v2;
	_ =	sdelay $0x1  }
0x360: {  	v42 =	vperm.xlane v18, v1;
	v19 =	vadd.s32 v3, v19;
	_ =	sdelay $0x1  }
0x361: {  	v43 =	vperm.xlane v18, v4;
	v20 =	vadd.s32 v3, v42;
	_ =	sdelay $0x1  }
0x362: {  	s17 =	simm.s32 $0xAF80;
	v44 =	vperm.xlane v18, v5;
	v21 =	vadd.s32 v3, v43  }
0x363: {  	[tilespmem:s17], [sflag:$0x2] =	stream.indirect_vreg.gather [hbm4b:s6+s3], $0x80, v19, vm0, $0xb8;
	[tilespmem:$0x1F000] =	vst v63  }
0x364: {  	v45 =	vperm.xlane v18, v6;
	v19 =	vadd.s32 v3, v44;
	s17 =	simm.s32 $0xB000  }
0x365: {  	[tilespmem:s17], [sflag:$0x2] =	stream.indirect_vreg.gather [hbm4b:s6+s3], $0x80, v20, vm0, $0xb8;
	[tilespmem:$0x1F000] =	vst v63  }
0x366: {  	v47 =	vperm.xlane v18, v7;
	v46 =	vadd.s32 v3, v45;
	s17 =	simm.s32 $0xB080  }
0x367: {  	[tilespmem:s17], [sflag:$0x2] =	stream.indirect_vreg.gather [hbm4b:s6+s3], $0x80, v21, vm0, $0xb8;
	[tilespmem:$0x1F000] =	vst v63  }
0x368: {  	v49 =	vperm.xlane v18, v8;
	v48 =	vadd.s32 v3, v47;
	s17 =	simm.s32 $0xB100  }
0x369: {  	[tilespmem:s17], [sflag:$0x2] =	stream.indirect_vreg.gather [hbm4b:s6+s3], $0x80, v19, vm0, $0xb8;
	[tilespmem:$0x1F000] =	vst v63  }
0x36a: {  	v50 =	vperm.xlane v18, v0;
	v19 =	vadd.s32 v3, v49;
	s17 =	simm.s32 $0xB180  }
0x36b: {  	[tilespmem:s17], [sflag:$0x2] =	stream.indirect_vreg.gather [hbm4b:s6+s3], $0x80, v46, vm0, $0xb8;
	[tilespmem:$0x1F000] =	vst v63  }
0x36c: {  	v52 =	vperm.xlane v18, v9;
	v51 =	vadd.s32 v3, v50;
	s17 =	simm.s32 $0xB200  }
0x36d: {  	[tilespmem:s17], [sflag:$0x2] =	stream.indirect_vreg.gather [hbm4b:s6+s3], $0x80, v48, vm0, $0xb8;
	[tilespmem:$0x1F000] =	vst v63  }
0x36e: {  	v54 =	vperm.xlane v18, v10;
	v53 =	vadd.s32 v3, v52;
	s17 =	simm.s32 $0xB280  }
0x36f: {  	[tilespmem:s17], [sflag:$0x2] =	stream.indirect_vreg.gather [hbm4b:s6+s3], $0x80, v19, vm0, $0xb8;
	[tilespmem:$0x1F000] =	vst v63  }
0x370: {  	v55 =	vperm.xlane v18, v11;
	v19 =	vadd.s32 v3, v54;
	s17 =	simm.s32 $0xB300  }
0x371: {  	[tilespmem:s17], [sflag:$0x2] =	stream.indirect_vreg.gather [hbm4b:s6+s3], $0x80, v51, vm0, $0xb8;
	[tilespmem:$0x1F000] =	vst v63  }
0x372: {  	v57 =	vperm.xlane v18, v12;
	v56 =	vadd.s32 v3, v55;
	s17 =	simm.s32 $0xB380  }
0x373: {  	[tilespmem:s17], [sflag:$0x2] =	stream.indirect_vreg.gather [hbm4b:s6+s3], $0x80, v53, vm0, $0xb8;
	[tilespmem:$0x1F000] =	vst v63  }
0x374: {  	v59 =	vperm.xlane v18, v13;
	v58 =	vadd.s32 v3, v57;
	s17 =	simm.s32 $0xB400  }
0x375: {  	[tilespmem:s17], [sflag:$0x2] =	stream.indirect_vreg.gather [hbm4b:s6+s3], $0x80, v19, vm0, $0xb8;
	[tilespmem:$0x1F000] =	vst v63  }
0x376: {  	v60 =	vperm.xlane v18, v14;
	v19 =	vadd.s32 v3, v59;
	s17 =	simm.s32 $0xB480  }
0x377: {  	[tilespmem:s17], [sflag:$0x2] =	stream.indirect_vreg.gather [hbm4b:s6+s3], $0x80, v56, vm0, $0xb8;
	[tilespmem:$0x1F000] =	vst v63  }
0x378: {  	v62 =	vperm.xlane v18, v15;
	v61 =	vadd.s32 v3, v60;
	s17 =	simm.s32 $0xB500  }
0x379: {  	[tilespmem:s17], [sflag:$0x2] =	stream.indirect_vreg.gather [hbm4b:s6+s3], $0x80, v58, vm0, $0xb8;
	[tilespmem:$0x1F000] =	vst v63  }
0x37a: {  	v18 =	vperm.xlane v18, v16;
	v63 =	vadd.s32 v3, v62;
	s17 =	simm.s32 $0xB580  }
0x37b: {  	[tilespmem:s17], [sflag:$0x2] =	stream.indirect_vreg.gather [hbm4b:s6+s3], $0x80, v19, vm0, $0xb8;
	[tilespmem:$0x1F000] =	vst v63  }
0x37c: {  	v18 =	vadd.s32 v3, v18;
	s17 =	simm.s32 $0xB600  }
0x37d: {  	[tilespmem:s17], [sflag:$0x2] =	stream.indirect_vreg.gather [hbm4b:s6+s3], $0x80, v61, vm0, $0xb8;
	[tilespmem:$0x1F000] =	vst v63  }
0x37e: {  	s17 =	simm.s32 $0xB680  }
0x37f: {  	[tilespmem:s17], [sflag:$0x2] =	stream.indirect_vreg.gather [hbm4b:s6+s3], $0x80, v63, vm0, $0xb8;
	[tilespmem:$0x1F000] =	vst v63  }
0x380: {  	_ = 	snop  }
0x381: {  	[tilespmem:s4], [sflag:$0x2] =	stream.indirect_vreg.gather [hbm4b:s6+s3], $0x80, v18, vm0, $0xb8;
	[tilespmem:$0x1F000] =	vst v63  }
0x382: {  	p1 =	sne.s32 s18, $0xFFFFFC00;
	_ =	swait.ge [sflag:s1], $0x2800  }
.Ltmp1:
0x383: {  	[sflag:s1] =	ssyncset.done $0x0;
	(pc) =	sbr.rel @p1 .LBB2_4-.Ltmp1, $4  }
0x384: {  	s18 =	sadd.s32 $0x400, s18;
	[sflag:s1] =	ssyncadd.s32 $0xFFFFD800  }
0x385: {  	s15 =	sadd.s32 $0x6580, s28;
	s28 =	simm.s32 $0x6F80;
	s17 =	rddreg [dreg:$0x4]  }
0x386: {  	[spmem:s17] =	stream.indirect.scatter.add.f32 [tilespmem:s12], [sflag:$0x3], $0x80, s15, s5, $0xb8;
	[tilespmem:$0x1F000] =	vst v63  }
0x387: {  	s14 =	sadd.s32 $0xA0, s14;
	s17 =	simm.s32 $0x7880;
	s15 =	rddreg [dreg:$0x4]  }
0x388: {  	_ =	swait.ge [sflag:s30], $0x2800  }
0x389: {  	[sflag:s30] =	ssyncset.done $0x0  }
0x38a: {  	[sflag:s30] =	ssyncadd.s32 $0xFFFFD800  }
0x38b: {  	v18 =	vld [tilespmem:$0x26C0];
	_ =	sdelay $0x4  }
0x38c: {  	v19 =	vshll.u32 v18, $0x1  }
0x38d: {  	v18 =	vand.u32 $0x7, v18;
	v19 =	vand.u32 $0xFFFFFFF0, v19  }
0x38e: {  	v18 =	vor.u32 v18, v19  }
0x38f: {  	v19 =	vperm.xlane v18, v2;
	_ =	sdelay $0x1  }
0x390: {  	v20 =	vperm.xlane v18, v1;
	v19 =	vadd.s32 v3, v19;
	_ =	sdelay $0x1  }
0x391: {  	v21 =	vperm.xlane v18, v4;
	v20 =	vadd.s32 v3, v20;
	_ =	sdelay $0x1  }
0x392: {  	v22 =	vperm.xlane v18, v5;
	v21 =	vadd.s32 v3, v21  }
0x393: {  	[tilespmem:s12], [sflag:$0x1] =	stream.indirect_vreg.gather [hbm4b:s6+s3], $0x80, v19, vm0, $0xb8;
	[tilespmem:$0x1F000] =	vst v63  }
0x394: {  	s4 =	simm.s32 $0x6800;
	v37 =	vperm.xlane v18, v6;
	v19 =	vadd.s32 v3, v22  }
0x395: {  	[tilespmem:s4], [sflag:$0x1] =	stream.indirect_vreg.gather [hbm4b:s6+s3], $0x80, v20, vm0, $0xb8;
	[tilespmem:$0x1F000] =	vst v63  }
0x396: {  	s14 =	simm.s32 $0x6880;
	v39 =	vperm.xlane v18, v7;
	v38 =	vadd.s32 v3, v37  }
0x397: {  	[tilespmem:s14], [sflag:$0x1] =	stream.indirect_vreg.gather [hbm4b:s6+s3], $0x80, v21, vm0, $0xb8;
	[tilespmem:$0x1F000] =	vst v63  }
0x398: {  	s18 =	simm.s32 $0x6900;
	v41 =	vperm.xlane v18, v8;
	v40 =	vadd.s32 v3, v39  }
0x399: {  	[tilespmem:s18], [sflag:$0x1] =	stream.indirect_vreg.gather [hbm4b:s6+s3], $0x80, v19, vm0, $0xb8;
	[tilespmem:$0x1F000] =	vst v63  }
0x39a: {  	v42 =	vperm.xlane v18, v0;
	s14 =	simm.s32 $0x6980;
	v19 =	vadd.s32 v3, v41  }
0x39b: {  	[tilespmem:s14], [sflag:$0x1] =	stream.indirect_vreg.gather [hbm4b:s6+s3], $0x80, v38, vm0, $0xb8;
	[tilespmem:$0x1F000] =	vst v63  }
0x39c: {  	v44 =	vperm.xlane v18, v9;
	v43 =	vadd.s32 v3, v42;
	s18 =	simm.s32 $0x6A00  }
0x39d: {  	[tilespmem:s18], [sflag:$0x1] =	stream.indirect_vreg.gather [hbm4b:s6+s3], $0x80, v40, vm0, $0xb8;
	[tilespmem:$0x1F000] =	vst v63  }
0x39e: {  	v46 =	vperm.xlane v18, v10;
	v45 =	vadd.s32 v3, v44;
	s14 =	simm.s32 $0x6A80  }
0x39f: {  	[tilespmem:s14], [sflag:$0x1] =	stream.indirect_vreg.gather [hbm4b:s6+s3], $0x80, v19, vm0, $0xb8;
	[tilespmem:$0x1F000] =	vst v63  }
0x3a0: {  	v47 =	vperm.xlane v18, v11;
	s18 =	simm.s32 $0x6B00;
	v19 =	vadd.s32 v3, v46  }
0x3a1: {  	[tilespmem:s18], [sflag:$0x1] =	stream.indirect_vreg.gather [hbm4b:s6+s3], $0x80, v43, vm0, $0xb8;
	[tilespmem:$0x1F000] =	vst v63  }
0x3a2: {  	v49 =	vperm.xlane v18, v12;
	v48 =	vadd.s32 v3, v47;
	s14 =	simm.s32 $0x6B80  }
0x3a3: {  	[tilespmem:s14], [sflag:$0x1] =	stream.indirect_vreg.gather [hbm4b:s6+s3], $0x80, v45, vm0, $0xb8;
	[tilespmem:$0x1F000] =	vst v63  }
0x3a4: {  	v51 =	vperm.xlane v18, v13;
	v50 =	vadd.s32 v3, v49;
	s18 =	simm.s32 $0x6C00  }
0x3a5: {  	[tilespmem:s18], [sflag:$0x1] =	stream.indirect_vreg.gather [hbm4b:s6+s3], $0x80, v19, vm0, $0xb8;
	[tilespmem:$0x1F000] =	vst v63  }
0x3a6: {  	v52 =	vperm.xlane v18, v14;
	s14 =	simm.s32 $0x6C80;
	v19 =	vadd.s32 v3, v51  }
0x3a7: {  	[tilespmem:s14], [sflag:$0x1] =	stream.indirect_vreg.gather [hbm4b:s6+s3], $0x80, v48, vm0, $0xb8;
	[tilespmem:$0x1F000] =	vst v63  }
0x3a8: {  	v54 =	vperm.xlane v18, v15;
	v53 =	vadd.s32 v3, v52;
	s18 =	simm.s32 $0x6D00  }
0x3a9: {  	[tilespmem:s18], [sflag:$0x1] =	stream.indirect_vreg.gather [hbm4b:s6+s3], $0x80, v50, vm0, $0xb8;
	[tilespmem:$0x1F000] =	vst v63  }
0x3aa: {  	v18 =	vperm.xlane v18, v16;
	v55 =	vadd.s32 v3, v54;
	s14 =	simm.s32 $0x6D80  }
0x3ab: {  	[tilespmem:s14], [sflag:$0x1] =	stream.indirect_vreg.gather [hbm4b:s6+s3], $0x80, v19, vm0, $0xb8;
	[tilespmem:$0x1F000] =	vst v63  }
0x3ac: {  	v18 =	vadd.s32 v3, v18;
	s18 =	simm.s32 $0x6E00  }
0x3ad: {  	[tilespmem:s18], [sflag:$0x1] =	stream.indirect_vreg.gather [hbm4b:s6+s3], $0x80, v53, vm0, $0xb8;
	[tilespmem:$0x1F000] =	vst v63  }
0x3ae: {  	s14 =	simm.s32 $0x6E80  }
0x3af: {  	[tilespmem:s14], [sflag:$0x1] =	stream.indirect_vreg.gather [hbm4b:s6+s3], $0x80, v55, vm0, $0xb8;
	[tilespmem:$0x1F000] =	vst v63  }
0x3b0: {  	s18 =	simm.s32 $0x6F00  }
0x3b1: {  	[tilespmem:s18], [sflag:$0x1] =	stream.indirect_vreg.gather [hbm4b:s6+s3], $0x80, v18, vm0, $0xb8;
	[tilespmem:$0x1F000] =	vst v63  }
0x3b2: {  	v18 =	vld [tilespmem:$0x26D0];
	_ =	sdelay $0x4  }
0x3b3: {  	v19 =	vshll.u32 v18, $0x1  }
0x3b4: {  	v18 =	vand.u32 $0x7, v18;
	v19 =	vand.u32 $0xFFFFFFF0, v19  }
0x3b5: {  	v18 =	vor.u32 v18, v19  }
0x3b6: {  	v19 =	vperm.xlane v18, v2;
	_ =	sdelay $0x1  }
0x3b7: {  	v56 =	vperm.xlane v18, v1;
	v19 =	vadd.s32 v3, v19;
	_ =	sdelay $0x1  }
0x3b8: {  	v57 =	vperm.xlane v18, v4;
	v20 =	vadd.s32 v3, v56;
	_ =	sdelay $0x1  }
0x3b9: {  	v58 =	vperm.xlane v18, v5;
	v21 =	vadd.s32 v3, v57  }
0x3ba: {  	[tilespmem:s28], [sflag:$0x1] =	stream.indirect_vreg.gather [hbm4b:s6+s3], $0x80, v19, vm0, $0xb8;
	[tilespmem:$0x1F000] =	vst v63  }
0x3bb: {  	s14 =	simm.s32 $0x7000;
	v59 =	vperm.xlane v18, v6;
	v19 =	vadd.s32 v3, v58  }
0x3bc: {  	[tilespmem:s14], [sflag:$0x1] =	stream.indirect_vreg.gather [hbm4b:s6+s3], $0x80, v20, vm0, $0xb8;
	[tilespmem:$0x1F000] =	vst v63  }
0x3bd: {  	v61 =	vperm.xlane v18, v7;
	v60 =	vadd.s32 v3, v59  }
0x3be: {  	[tilespmem:s16], [sflag:$0x1] =	stream.indirect_vreg.gather [hbm4b:s6+s3], $0x80, v21, vm0, $0xb8;
	[tilespmem:$0x1F000] =	vst v63  }
0x3bf: {  	v63 =	vperm.xlane v18, v8;
	v62 =	vadd.s32 v3, v61  }
0x3c0: {  	[tilespmem:s11], [sflag:$0x1] =	stream.indirect_vreg.gather [hbm4b:s6+s3], $0x80, v19, vm0, $0xb8;
	[tilespmem:$0x1F000] =	vst v63  }
0x3c1: {  	v24 =	vperm.xlane v18, v0;
	v19 =	vadd.s32 v3, v63  }
0x3c2: {  	[tilespmem:s23], [sflag:$0x1] =	stream.indirect_vreg.gather [hbm4b:s6+s3], $0x80, v60, vm0, $0xb8;
	[tilespmem:$0x1F000] =	vst v63  }
0x3c3: {  	v26 =	vperm.xlane v18, v9;
	v25 =	vadd.s32 v3, v24  }
0x3c4: {  	[tilespmem:s10], [sflag:$0x1] =	stream.indirect_vreg.gather [hbm4b:s6+s3], $0x80, v62, vm0, $0xb8;
	[tilespmem:$0x1F000] =	vst v63  }
0x3c5: {  	v28 =	vperm.xlane v18, v10;
	v27 =	vadd.s32 v3, v26  }
0x3c6: {  	[tilespmem:s19], [sflag:$0x1] =	stream.indirect_vreg.gather [hbm4b:s6+s3], $0x80, v19, vm0, $0xb8;
	[tilespmem:$0x1F000] =	vst v63  }
0x3c7: {  	v29 =	vperm.xlane v18, v11;
	v19 =	vadd.s32 v3, v28  }
0x3c8: {  	[tilespmem:s9], [sflag:$0x1] =	stream.indirect_vreg.gather [hbm4b:s6+s3], $0x80, v25, vm0, $0xb8;
	[tilespmem:$0x1F000] =	vst v63  }
0x3c9: {  	v31 =	vperm.xlane v18, v12;
	v30 =	vadd.s32 v3, v29  }
0x3ca: {  	[tilespmem:s29], [sflag:$0x1] =	stream.indirect_vreg.gather [hbm4b:s6+s3], $0x80, v27, vm0, $0xb8;
	[tilespmem:$0x1F000] =	vst v63  }
0x3cb: {  	v33 =	vperm.xlane v18, v13;
	v32 =	vadd.s32 v3, v31  }
0x3cc: {  	[tilespmem:s8], [sflag:$0x1] =	stream.indirect_vreg.gather [hbm4b:s6+s3], $0x80, v19, vm0, $0xb8;
	[tilespmem:$0x1F000] =	vst v63  }
0x3cd: {  	v34 =	vperm.xlane v18, v14;
	v19 =	vadd.s32 v3, v33  }
0x3ce: {  	[tilespmem:s0], [sflag:$0x1] =	stream.indirect_vreg.gather [hbm4b:s6+s3], $0x80, v30, vm0, $0xb8;
	[tilespmem:$0x1F000] =	vst v63  }
0x3cf: {  	v36 =	vperm.xlane v18, v15;
	v35 =	vadd.s32 v3, v34  }
0x3d0: {  	[tilespmem:s21], [sflag:$0x1] =	stream.indirect_vreg.gather [hbm4b:s6+s3], $0x80, v32, vm0, $0xb8;
	[tilespmem:$0x1F000] =	vst v63  }
0x3d1: {  	v18 =	vperm.xlane v18, v16;
	v37 =	vadd.s32 v3, v36  }
0x3d2: {  	[tilespmem:s25], [sflag:$0x1] =	stream.indirect_vreg.gather [hbm4b:s6+s3], $0x80, v19, vm0, $0xb8;
	[tilespmem:$0x1F000] =	vst v63  }
0x3d3: {  	v18 =	vadd.s32 v3, v18  }
0x3d4: {  	[tilespmem:s26], [sflag:$0x1] =	stream.indirect_vreg.gather [hbm4b:s6+s3], $0x80, v35, vm0, $0xb8;
	[tilespmem:$0x1F000] =	vst v63  }
0x3d5: {  	_ = 	snop  }
0x3d6: {  	[tilespmem:s24], [sflag:$0x1] =	stream.indirect_vreg.gather [hbm4b:s6+s3], $0x80, v37, vm0, $0xb8;
	[tilespmem:$0x1F000] =	vst v63  }
0x3d7: {  	_ = 	snop  }
0x3d8: {  	[tilespmem:s2], [sflag:$0x1] =	stream.indirect_vreg.gather [hbm4b:s6+s3], $0x80, v18, vm0, $0xb8;
	[tilespmem:$0x1F000] =	vst v63  }
0x3d9: {  	v18 =	vld [tilespmem:$0x26E0];
	_ =	sdelay $0x4  }
0x3da: {  	v19 =	vshll.u32 v18, $0x1  }
0x3db: {  	v18 =	vand.u32 $0x7, v18;
	v19 =	vand.u32 $0xFFFFFFF0, v19  }
0x3dc: {  	v18 =	vor.u32 v18, v19  }
0x3dd: {  	v19 =	vperm.xlane v18, v2;
	_ =	sdelay $0x1  }
0x3de: {  	v38 =	vperm.xlane v18, v1;
	v19 =	vadd.s32 v3, v19;
	_ =	sdelay $0x1  }
0x3df: {  	v39 =	vperm.xlane v18, v4;
	v20 =	vadd.s32 v3, v38;
	_ =	sdelay $0x1  }
0x3e0: {  	v40 =	vperm.xlane v18, v5;
	v21 =	vadd.s32 v3, v39  }
0x3e1: {  	[tilespmem:s7], [sflag:$0x1] =	stream.indirect_vreg.gather [hbm4b:s6+s3], $0x80, v19, vm0, $0xb8;
	[tilespmem:$0x1F000] =	vst v63  }
0x3e2: {  	v41 =	vperm.xlane v18, v6;
	v19 =	vadd.s32 v3, v40  }
0x3e3: {  	[tilespmem:s22], [sflag:$0x1] =	stream.indirect_vreg.gather [hbm4b:s6+s3], $0x80, v20, vm0, $0xb8;
	[tilespmem:$0x1F000] =	vst v63  }
0x3e4: {  	v43 =	vperm.xlane v18, v7;
	v42 =	vadd.s32 v3, v41  }
0x3e5: {  	[tilespmem:s17], [sflag:$0x1] =	stream.indirect_vreg.gather [hbm4b:s6+s3], $0x80, v21, vm0, $0xb8;
	[tilespmem:$0x1F000] =	vst v63  }
0x3e6: {  	v45 =	vperm.xlane v18, v8;
	v44 =	vadd.s32 v3, v43;
	s17 =	simm.s32 $0x7900  }
0x3e7: {  	[tilespmem:s17], [sflag:$0x1] =	stream.indirect_vreg.gather [hbm4b:s6+s3], $0x80, v19, vm0, $0xb8;
	[tilespmem:$0x1F000] =	vst v63  }
0x3e8: {  	s18 =	simm.s32 $0x7980;
	v46 =	vperm.xlane v18, v0;
	v19 =	vadd.s32 v3, v45  }
0x3e9: {  	[tilespmem:s18], [sflag:$0x1] =	stream.indirect_vreg.gather [hbm4b:s6+s3], $0x80, v42, vm0, $0xb8;
	[tilespmem:$0x1F000] =	vst v63  }
0x3ea: {  	s14 =	simm.s32 $0x7A00;
	v48 =	vperm.xlane v18, v9;
	v47 =	vadd.s32 v3, v46  }
0x3eb: {  	[tilespmem:s14], [sflag:$0x1] =	stream.indirect_vreg.gather [hbm4b:s6+s3], $0x80, v44, vm0, $0xb8;
	[tilespmem:$0x1F000] =	vst v63  }
0x3ec: {  	v50 =	vperm.xlane v18, v10;
	v49 =	vadd.s32 v3, v48;
	s17 =	simm.s32 $0x7A80  }
0x3ed: {  	[tilespmem:s17], [sflag:$0x1] =	stream.indirect_vreg.gather [hbm4b:s6+s3], $0x80, v19, vm0, $0xb8;
	[tilespmem:$0x1F000] =	vst v63  }
0x3ee: {  	v51 =	vperm.xlane v18, v11;
	s18 =	simm.s32 $0x7B00;
	v19 =	vadd.s32 v3, v50  }
0x3ef: {  	[tilespmem:s18], [sflag:$0x1] =	stream.indirect_vreg.gather [hbm4b:s6+s3], $0x80, v47, vm0, $0xb8;
	[tilespmem:$0x1F000] =	vst v63  }
0x3f0: {  	v53 =	vperm.xlane v18, v12;
	v52 =	vadd.s32 v3, v51;
	s14 =	simm.s32 $0x7B80  }
0x3f1: {  	[tilespmem:s14], [sflag:$0x1] =	stream.indirect_vreg.gather [hbm4b:s6+s3], $0x80, v49, vm0, $0xb8;
	[tilespmem:$0x1F000] =	vst v63  }
0x3f2: {  	v55 =	vperm.xlane v18, v13;
	v54 =	vadd.s32 v3, v53;
	s17 =	simm.s32 $0x7C00  }
0x3f3: {  	[tilespmem:s17], [sflag:$0x1] =	stream.indirect_vreg.gather [hbm4b:s6+s3], $0x80, v19, vm0, $0xb8;
	[tilespmem:$0x1F000] =	vst v63  }
0x3f4: {  	v56 =	vperm.xlane v18, v14;
	s18 =	simm.s32 $0x7C80;
	v19 =	vadd.s32 v3, v55  }
0x3f5: {  	[tilespmem:s18], [sflag:$0x1] =	stream.indirect_vreg.gather [hbm4b:s6+s3], $0x80, v52, vm0, $0xb8;
	[tilespmem:$0x1F000] =	vst v63  }
0x3f6: {  	v58 =	vperm.xlane v18, v15;
	v57 =	vadd.s32 v3, v56;
	s14 =	simm.s32 $0x7D00  }
0x3f7: {  	[tilespmem:s14], [sflag:$0x1] =	stream.indirect_vreg.gather [hbm4b:s6+s3], $0x80, v54, vm0, $0xb8;
	[tilespmem:$0x1F000] =	vst v63  }
0x3f8: {  	v18 =	vperm.xlane v18, v16;
	v59 =	vadd.s32 v3, v58;
	s17 =	simm.s32 $0x7D80  }
0x3f9: {  	[tilespmem:s17], [sflag:$0x1] =	stream.indirect_vreg.gather [hbm4b:s6+s3], $0x80, v19, vm0, $0xb8;
	[tilespmem:$0x1F000] =	vst v63  }
0x3fa: {  	v18 =	vadd.s32 v3, v18;
	s18 =	simm.s32 $0x7E00  }
0x3fb: {  	[tilespmem:s18], [sflag:$0x1] =	stream.indirect_vreg.gather [hbm4b:s6+s3], $0x80, v57, vm0, $0xb8;
	[tilespmem:$0x1F000] =	vst v63  }
0x3fc: {  	s14 =	simm.s32 $0x7E80  }
0x3fd: {  	[tilespmem:s14], [sflag:$0x1] =	stream.indirect_vreg.gather [hbm4b:s6+s3], $0x80, v59, vm0, $0xb8;
	[tilespmem:$0x1F000] =	vst v63  }
0x3fe: {  	s17 =	simm.s32 $0x7F00  }
0x3ff: {  	[tilespmem:s17], [sflag:$0x1] =	stream.indirect_vreg.gather [hbm4b:s6+s3], $0x80, v18, vm0, $0xb8;
	[tilespmem:$0x1F000] =	vst v63  }
0x400: {  	v18 =	vld [tilespmem:$0x26F0];
	_ =	sdelay $0x4  }
0x401: {  	v19 =	vshll.u32 v18, $0x1  }
0x402: {  	v18 =	vand.u32 $0x7, v18;
	v19 =	vand.u32 $0xFFFFFFF0, v19  }
0x403: {  	v18 =	vor.u32 v18, v19  }
0x404: {  	v19 =	vperm.xlane v18, v2;
	_ =	sdelay $0x1  }
0x405: {  	v60 =	vperm.xlane v18, v1;
	v19 =	vadd.s32 v3, v19;
	_ =	sdelay $0x1  }
0x406: {  	v61 =	vperm.xlane v18, v4;
	v20 =	vadd.s32 v3, v60;
	_ =	sdelay $0x1  }
0x407: {  	s18 =	simm.s32 $0x7F80;
	v62 =	vperm.xlane v18, v5;
	v21 =	vadd.s32 v3, v61  }
0x408: {  	[tilespmem:s18], [sflag:$0x1] =	stream.indirect_vreg.gather [hbm4b:s6+s3], $0x80, v19, vm0, $0xb8;
	[tilespmem:$0x1F000] =	vst v63  }
0x409: {  	s14 =	simm.s32 $0x8000;
	v63 =	vperm.xlane v18, v6;
	v19 =	vadd.s32 v3, v62  }
0x40a: {  	[tilespmem:s14], [sflag:$0x1] =	stream.indirect_vreg.gather [hbm4b:s6+s3], $0x80, v20, vm0, $0xb8;
	[tilespmem:$0x1F000] =	vst v63  }
0x40b: {  	s17 =	simm.s32 $0x8080;
	v25 =	vperm.xlane v18, v7;
	v24 =	vadd.s32 v3, v63  }
0x40c: {  	[tilespmem:s17], [sflag:$0x1] =	stream.indirect_vreg.gather [hbm4b:s6+s3], $0x80, v21, vm0, $0xb8;
	[tilespmem:$0x1F000] =	vst v63  }
0x40d: {  	v27 =	vperm.xlane v18, v8;
	v26 =	vadd.s32 v3, v25;
	s18 =	simm.s32 $0x8100  }
0x40e: {  	[tilespmem:s18], [sflag:$0x1] =	stream.indirect_vreg.gather [hbm4b:s6+s3], $0x80, v19, vm0, $0xb8;
	[tilespmem:$0x1F000] =	vst v63  }
0x40f: {  	v28 =	vperm.xlane v18, v0;
	s14 =	simm.s32 $0x8180;
	v19 =	vadd.s32 v3, v27  }
0x410: {  	[tilespmem:s14], [sflag:$0x1] =	stream.indirect_vreg.gather [hbm4b:s6+s3], $0x80, v24, vm0, $0xb8;
	[tilespmem:$0x1F000] =	vst v63  }
0x411: {  	v30 =	vperm.xlane v18, v9;
	v29 =	vadd.s32 v3, v28;
	s17 =	simm.s32 $0x8200  }
0x412: {  	[tilespmem:s17], [sflag:$0x1] =	stream.indirect_vreg.gather [hbm4b:s6+s3], $0x80, v26, vm0, $0xb8;
	[tilespmem:$0x1F000] =	vst v63  }
0x413: {  	v32 =	vperm.xlane v18, v10;
	v31 =	vadd.s32 v3, v30;
	s18 =	simm.s32 $0x8280  }
0x414: {  	[tilespmem:s18], [sflag:$0x1] =	stream.indirect_vreg.gather [hbm4b:s6+s3], $0x80, v19, vm0, $0xb8;
	[tilespmem:$0x1F000] =	vst v63  }
0x415: {  	v33 =	vperm.xlane v18, v11;
	s14 =	simm.s32 $0x8300;
	v19 =	vadd.s32 v3, v32  }
0x416: {  	[tilespmem:s14], [sflag:$0x1] =	stream.indirect_vreg.gather [hbm4b:s6+s3], $0x80, v29, vm0, $0xb8;
	[tilespmem:$0x1F000] =	vst v63  }
0x417: {  	v35 =	vperm.xlane v18, v12;
	v34 =	vadd.s32 v3, v33;
	s17 =	simm.s32 $0x8380  }
0x418: {  	[tilespmem:s17], [sflag:$0x1] =	stream.indirect_vreg.gather [hbm4b:s6+s3], $0x80, v31, vm0, $0xb8;
	[tilespmem:$0x1F000] =	vst v63  }
0x419: {  	v37 =	vperm.xlane v18, v13;
	v36 =	vadd.s32 v3, v35;
	s18 =	simm.s32 $0x8400  }
0x41a: {  	[tilespmem:s18], [sflag:$0x1] =	stream.indirect_vreg.gather [hbm4b:s6+s3], $0x80, v19, vm0, $0xb8;
	[tilespmem:$0x1F000] =	vst v63  }
0x41b: {  	v38 =	vperm.xlane v18, v14;
	s14 =	simm.s32 $0x8480;
	v19 =	vadd.s32 v3, v37  }
0x41c: {  	[tilespmem:s14], [sflag:$0x1] =	stream.indirect_vreg.gather [hbm4b:s6+s3], $0x80, v34, vm0, $0xb8;
	[tilespmem:$0x1F000] =	vst v63  }
0x41d: {  	v40 =	vperm.xlane v18, v15;
	v39 =	vadd.s32 v3, v38;
	s17 =	simm.s32 $0x8500  }
0x41e: {  	[tilespmem:s17], [sflag:$0x1] =	stream.indirect_vreg.gather [hbm4b:s6+s3], $0x80, v36, vm0, $0xb8;
	[tilespmem:$0x1F000] =	vst v63  }
0x41f: {  	v18 =	vperm.xlane v18, v16;
	v41 =	vadd.s32 v3, v40;
	s18 =	simm.s32 $0x8580  }
0x420: {  	[tilespmem:s18], [sflag:$0x1] =	stream.indirect_vreg.gather [hbm4b:s6+s3], $0x80, v19, vm0, $0xb8;
	[tilespmem:$0x1F000] =	vst v63  }
0x421: {  	v18 =	vadd.s32 v3, v18;
	s14 =	simm.s32 $0x8600  }
0x422: {  	[tilespmem:s14], [sflag:$0x1] =	stream.indirect_vreg.gather [hbm4b:s6+s3], $0x80, v39, vm0, $0xb8;
	[tilespmem:$0x1F000] =	vst v63  }
0x423: {  	s17 =	simm.s32 $0x8680  }
0x424: {  	[tilespmem:s17], [sflag:$0x1] =	stream.indirect_vreg.gather [hbm4b:s6+s3], $0x80, v41, vm0, $0xb8;
	[tilespmem:$0x1F000] =	vst v63  }
0x425: {  	s18 =	simm.s32 $0x8700  }
0x426: {  	[tilespmem:s18], [sflag:$0x1] =	stream.indirect_vreg.gather [hbm4b:s6+s3], $0x80, v18, vm0, $0xb8;
	[tilespmem:$0x1F000] =	vst v63  }
0x427: {  	v18 =	vld [tilespmem:$0x2700];
	_ =	sdelay $0x4  }
0x428: {  	v19 =	vshll.u32 v18, $0x1  }
0x429: {  	v18 =	vand.u32 $0x7, v18;
	v19 =	vand.u32 $0xFFFFFFF0, v19  }
0x42a: {  	v18 =	vor.u32 v18, v19  }
0x42b: {  	v19 =	vperm.xlane v18, v2;
	_ =	sdelay $0x1  }
0x42c: {  	v42 =	vperm.xlane v18, v1;
	v19 =	vadd.s32 v3, v19;
	_ =	sdelay $0x1  }
0x42d: {  	v43 =	vperm.xlane v18, v4;
	v20 =	vadd.s32 v3, v42;
	_ =	sdelay $0x1  }
0x42e: {  	s14 =	simm.s32 $0x8780;
	v44 =	vperm.xlane v18, v5;
	v21 =	vadd.s32 v3, v43  }
0x42f: {  	[tilespmem:s14], [sflag:$0x1] =	stream.indirect_vreg.gather [hbm4b:s6+s3], $0x80, v19, vm0, $0xb8;
	[tilespmem:$0x1F000] =	vst v63  }
0x430: {  	s17 =	simm.s32 $0x8800;
	v45 =	vperm.xlane v18, v6;
	v19 =	vadd.s32 v3, v44  }
0x431: {  	[tilespmem:s17], [sflag:$0x1] =	stream.indirect_vreg.gather [hbm4b:s6+s3], $0x80, v20, vm0, $0xb8;
	[tilespmem:$0x1F000] =	vst v63  }
0x432: {  	s18 =	simm.s32 $0x8880;
	v47 =	vperm.xlane v18, v7;
	v46 =	vadd.s32 v3, v45  }
0x433: {  	[tilespmem:s18], [sflag:$0x1] =	stream.indirect_vreg.gather [hbm4b:s6+s3], $0x80, v21, vm0, $0xb8;
	[tilespmem:$0x1F000] =	vst v63  }
0x434: {  	v49 =	vperm.xlane v18, v8;
	v48 =	vadd.s32 v3, v47;
	s14 =	simm.s32 $0x8900  }
0x435: {  	[tilespmem:s14], [sflag:$0x1] =	stream.indirect_vreg.gather [hbm4b:s6+s3], $0x80, v19, vm0, $0xb8;
	[tilespmem:$0x1F000] =	vst v63  }
0x436: {  	v50 =	vperm.xlane v18, v0;
	s17 =	simm.s32 $0x8980;
	v19 =	vadd.s32 v3, v49  }
0x437: {  	[tilespmem:s17], [sflag:$0x1] =	stream.indirect_vreg.gather [hbm4b:s6+s3], $0x80, v46, vm0, $0xb8;
	[tilespmem:$0x1F000] =	vst v63  }
0x438: {  	v52 =	vperm.xlane v18, v9;
	v51 =	vadd.s32 v3, v50;
	s18 =	simm.s32 $0x8A00  }
0x439: {  	[tilespmem:s18], [sflag:$0x1] =	stream.indirect_vreg.gather [hbm4b:s6+s3], $0x80, v48, vm0, $0xb8;
	[tilespmem:$0x1F000] =	vst v63  }
0x43a: {  	v54 =	vperm.xlane v18, v10;
	v53 =	vadd.s32 v3, v52;
	s14 =	simm.s32 $0x8A80  }
0x43b: {  	[tilespmem:s14], [sflag:$0x1] =	stream.indirect_vreg.gather [hbm4b:s6+s3], $0x80, v19, vm0, $0xb8;
	[tilespmem:$0x1F000] =	vst v63  }
0x43c: {  	v55 =	vperm.xlane v18, v11;
	s17 =	simm.s32 $0x8B00;
	v19 =	vadd.s32 v3, v54  }
0x43d: {  	[tilespmem:s17], [sflag:$0x1] =	stream.indirect_vreg.gather [hbm4b:s6+s3], $0x80, v51, vm0, $0xb8;
	[tilespmem:$0x1F000] =	vst v63  }
0x43e: {  	v57 =	vperm.xlane v18, v12;
	v56 =	vadd.s32 v3, v55;
	s18 =	simm.s32 $0x8B80  }
0x43f: {  	[tilespmem:s18], [sflag:$0x1] =	stream.indirect_vreg.gather [hbm4b:s6+s3], $0x80, v53, vm0, $0xb8;
	[tilespmem:$0x1F000] =	vst v63  }
0x440: {  	v59 =	vperm.xlane v18, v13;
	v58 =	vadd.s32 v3, v57;
	s14 =	simm.s32 $0x8C00  }
0x441: {  	[tilespmem:s14], [sflag:$0x1] =	stream.indirect_vreg.gather [hbm4b:s6+s3], $0x80, v19, vm0, $0xb8;
	[tilespmem:$0x1F000] =	vst v63  }
0x442: {  	v60 =	vperm.xlane v18, v14;
	s17 =	simm.s32 $0x8C80;
	v19 =	vadd.s32 v3, v59  }
0x443: {  	[tilespmem:s17], [sflag:$0x1] =	stream.indirect_vreg.gather [hbm4b:s6+s3], $0x80, v56, vm0, $0xb8;
	[tilespmem:$0x1F000] =	vst v63  }
0x444: {  	v62 =	vperm.xlane v18, v15;
	v61 =	vadd.s32 v3, v60;
	s18 =	simm.s32 $0x8D00  }
0x445: {  	[tilespmem:s18], [sflag:$0x1] =	stream.indirect_vreg.gather [hbm4b:s6+s3], $0x80, v58, vm0, $0xb8;
	[tilespmem:$0x1F000] =	vst v63  }
0x446: {  	v18 =	vperm.xlane v18, v16;
	v63 =	vadd.s32 v3, v62;
	s14 =	simm.s32 $0x8D80  }
0x447: {  	[tilespmem:s14], [sflag:$0x1] =	stream.indirect_vreg.gather [hbm4b:s6+s3], $0x80, v19, vm0, $0xb8;
	[tilespmem:$0x1F000] =	vst v63  }
0x448: {  	v18 =	vadd.s32 v3, v18;
	s17 =	simm.s32 $0x8E00  }
0x449: {  	[tilespmem:s17], [sflag:$0x1] =	stream.indirect_vreg.gather [hbm4b:s6+s3], $0x80, v61, vm0, $0xb8;
	[tilespmem:$0x1F000] =	vst v63  }
0x44a: {  	s18 =	simm.s32 $0x8E80  }
0x44b: {  	[tilespmem:s18], [sflag:$0x1] =	stream.indirect_vreg.gather [hbm4b:s6+s3], $0x80, v63, vm0, $0xb8;
	[tilespmem:$0x1F000] =	vst v63  }
0x44c: {  	s14 =	simm.s32 $0x8F00  }
0x44d: {  	[tilespmem:s14], [sflag:$0x1] =	stream.indirect_vreg.gather [hbm4b:s6+s3], $0x80, v18, vm0, $0xb8;
	[tilespmem:$0x1F000] =	vst v63  }
0x44e: {  	_ =	swait.ge [sflag:s13], $0x2800  }
0x44f: {  	[sflag:s13] =	ssyncset.done $0x0  }
0x450: {  	s17 =	simm.s32 $0x6500;
	[sflag:s13] =	ssyncadd.s32 $0xFFFFD800  }
0x451: {  	[spmem:s15] =	stream.indirect.scatter.add.f32 [tilespmem:s31], [sflag:$0x4], $0x80, s17, s5, $0xb8;
	[tilespmem:$0x1F000] =	vst v63  }
0x452: {  	_ =	swait.ge [sflag:s20], $0x2800  }
0x453: {  	[sflag:s20] =	ssyncset.done $0x0  }
0x454: {  	[sflag:s20] =	ssyncadd.s32 $0xFFFFD800  }
0x455: {  	_ =	swait.ge [sflag:s1], $0x2800  }
0x456: {  	[sflag:s1] =	ssyncset.done $0x0  }
0x457: {  	s18 =	simm.s32 $0x6580;
	[sflag:s1] =	ssyncadd.s32 $0xFFFFD800  }
0x458: {  	[spmem:s15] =	stream.indirect.scatter.add.f32 [tilespmem:s12], [sflag:$0x3], $0x80, s18, s5, $0xb8;
	[tilespmem:$0x1F000] =	vst v63  }
0x459: {  	_ =	swait.ge [sflag:s30], $0x2800  }
0x45a: {  	[sflag:s30] =	ssyncset.done $0x0  }
0x45b: {  	s14 =	stileid.u32;
	[sflag:s30] =	ssyncadd.s32 $0xFFFFD800  }
0x45c: {  	s14 =	sshll.u32 s14, $0x6;
	[bflag:$0x0] =	sbarrier.arrive $0xFFFF  }
0x45d: {  	s4 =	simm.s32 $0x8;
	s14 =	sor.u32 $0x1C05, s14;
	s15 =	rddreg [dreg:$0x10]  }
0x45e: {  	s5 =	simm.s32 $0x100;
	s18 =	simm.s32 $0x80;
	s17 =	rddreg [dreg:$0x13]  }
0x45f: {  	[hbm:s15@s5], [sflag:s14] =	dma.strided [spmem:s17@s18], $0x2700, s4, $0x10   }
0x460: {  	s5 =	simm.s32 $0x5  }
0x461: {  	s28 =	simm.s32 @!p0 $0x80;
	_ =	swait.ge [sflag:s5], $0x2700  }
0x462: {  	s15 =	simm.s32 @!p0 $0x8;
	[sflag:s5] =	ssyncset.done $0x0;
	s4 =	rddreg [dreg:$0x11]  }
0x463: {  	s18 =	simm.s32 @!p0 $0x100;
	[sflag:s5] =	ssyncadd.s32 $0xFFFFD900;
	s5 =	rddreg [dreg:$0x14]  }
0x464: {  	[hbm:s4@s18], [sflag:s14] =	dma.strided @!p0 [spmem:s5@s28], $0x100, s15, $0x10   }
0x465: {  	s14 =	simm.s32 @!p0 $0x5  }
0x466: {  	_ =	swait.ge @!p0 [sflag:s14], $0x100  }
0x467: {  	s15 =	rddreg [dreg:$0x15]  }
0x468: {  	s18 =	rddreg [dreg:$0x12];
	s5 =	sadd.s32 $0x1, s15  }
0x469: {  	p1 =	sne.s32 s5, s18  }
.Ltmp2:
0x46a: {  	_ = 	snop;
	(pc) =	sbr.rel @p1 .LBB2_1-.Ltmp2, $4  }
0x46b: {  	_ = 	snop  }
0x46c: {  	s31 =	simm.s32 $0x5  }
0x46d: {  	s17 =	simm.s32 $0x80;
	s28 =	simm.s32 $0x6F80;
	[sflag:s14] =	ssyncset.done @!p0 $0x0  }
0x46e: {  	[sflag:s14] =	ssyncadd.s32 @!p0 $0xFFFFFF00;
	s15 =	simm.s32 $0x2780;
	s18 =	simm.s32 $0x7000  }
0x46f: {  	_ =	sfence.sel $0x180000  }
0x470: {  	[bflag:$0x0] =	sbarrier.arrive $0xFFFF  }
0x471: {  	_ =	strace $0x90000047  }
0x472: {  	s0 =	stileid.u32;
	[bflag:$0x2] =	sbarrier.arrive $0xFFFF  }
0x473: {  	p0 =	sne.s32 s0, $0x0;
	s0 =	rddreg [dreg:$0x5]  }
0x474: {  	s0 =	sadd.s32 @!p0 $0x100000, s0  }
0x475: {  	[sflag:s0] =	ssyncadd.tile.s32 @!p0 $0x1;
	_ =	shalt  }
.Lfunc_end2:
_tile_overlayer_lowered:
.L_overlay_start_2:
0x476: {  	(tag) =	ssettag $0x2  }
0x477: {  	s0 =	rddreg [dreg:$0x0];
	s2 =	stileid.u32  }
0x478: {  	s1 =	rddreg [dreg:$0x1];
	p0 =	sne.s32 s2, $0x0  }
0x479: {  	s3 =	rddreg [dreg:$0x2];
	[bflag:$0x3] =	sbarrier.arrive $0xFFFF;
	s2 =	simm.s32 @!p0 $0x1C05  }
0x47a: {  	[timem:s3], [sflag:s2] =	dma.local @!p0 [hbm:s0], s1  }
0x47b: {  	s0 =	simm.s32 @!p0 $0x5  }
0x47c: {  	_ =	swait.ge @!p0 [sflag:s0], s1  }
0x47d: {  	s1 =	ssub.s32 @!p0 $0x0, s1;
	[sflag:s0] =	ssyncset.done @!p0 $0x0  }
0x47e: {  	[sflag:s0] =	ssyncadd.s32 @!p0 s1  }
0x47f: {  	[bflag:$0x3] =	sbarrier.arrive $0xFFFF  }
0x480: {  	_ =	shalt  }

</sc_bundles>
